<compile_context>
chip_gen: v7x
topology: tpu7x:2x2x1
jax: 0.10.2.dev20260603
libtpu: 0.0.44.dev20260713+nightly
codegen_flags: <defaults>
</compile_context>

<pallas_src>
import jax
import jax.numpy as jnp
from jax import lax
from jax.experimental import pallas as pl
from jax.experimental.pallas import tpu as pltpu
from jax.experimental.pallas import tpu_sc as plsc

N = 10000
D = 128
E = 320000
NC = 2
NS = 16
NW = NC * NS
CHUNK = 128
N_PAD = 10112
ROWS_PER_TILE = N_PAD // NS
E_PAD = ((E + NW * CHUNK - 1) // (NW * CHUNK)) * (NW * CHUNK)
EP_TILE = E_PAD // NW
N_CHUNKS = EP_TILE // CHUNK


def _make_sc_agg(with_deg):
  mesh = plsc.VectorSubcoreMesh(core_axis_name="c", subcore_axis_name="s")

  out_type = [jax.ShapeDtypeStruct((NC, N_PAD, D), jnp.float32)]
  if with_deg:
    out_type.append(jax.ShapeDtypeStruct((NC, N_PAD, D), jnp.float32))

  scratch = [
      pltpu.VMEM((CHUNK,), jnp.int32),
      pltpu.VMEM((CHUNK,), jnp.int32),
      pltpu.VMEM((CHUNK, D), jnp.float32),
      pltpu.VMEM_SHARED((N_PAD, D), jnp.float32),
      pltpu.SemaphoreType.DMA,
  ]
  if with_deg:
    scratch.append(pltpu.VMEM((CHUNK, D), jnp.float32))

  def body(*refs):
    if with_deg:
      (h, srcp, dstp, zrow, ones_hbm,
       agg_out, deg_out,
       src_v, dst_v, rows_v, agg_sh, sem, ones_v) = refs
    else:
      (h, srcp, dstp, zrow,
       agg_out,
       src_v, dst_v, rows_v, agg_sh, sem) = refs

    c = lax.axis_index("c")
    s = lax.axis_index("s")
    wid = c * NS + s
    my_rows = pl.ds(s * ROWS_PER_TILE, ROWS_PER_TILE)
    ebase = wid * EP_TILE

    pltpu.sync_copy(zrow, agg_sh.at[my_rows])

    if with_deg:
      pltpu.sync_copy(ones_hbm, ones_v)
      plsc.subcore_barrier()

      def dstep(j, carry):
        off = pl.multiple_of(ebase + j * CHUNK, CHUNK)
        pltpu.sync_copy(dstp.at[pl.ds(off, CHUNK)], dst_v)
        pltpu.sync_copy(ones_v, agg_sh.at[dst_v], add=True)
        return carry

      lax.fori_loop(0, N_CHUNKS, dstep, 0)
      plsc.subcore_barrier()
      pltpu.sync_copy(agg_sh.at[my_rows], deg_out.at[c].at[my_rows])
      plsc.subcore_barrier()
      pltpu.sync_copy(zrow, agg_sh.at[my_rows])

    plsc.subcore_barrier()

    def step(j, carry):
      off = pl.multiple_of(ebase + j * CHUNK, CHUNK)
      pltpu.sync_copy(srcp.at[pl.ds(off, CHUNK)], src_v)
      pltpu.sync_copy(dstp.at[pl.ds(off, CHUNK)], dst_v)
      pltpu.async_copy(h.at[src_v], rows_v, sem).wait()
      pltpu.sync_copy(rows_v, agg_sh.at[dst_v], add=True)
      return carry

    lax.fori_loop(0, N_CHUNKS, step, 0)
    plsc.subcore_barrier()

    pltpu.sync_copy(agg_sh.at[my_rows], agg_out.at[c].at[my_rows])

  return pl.kernel(body, out_type=tuple(out_type) if with_deg else out_type[0],
                   mesh=mesh, scratch_types=scratch)


_sc_agg_deg = _make_sc_agg(True)
_sc_agg = _make_sc_agg(False)


def _tc_layer(x, p0, p1, d0, d1, Ws, Wn, b, relu):
  BM = 5000

  def body(x_r, p0_r, p1_r, d0_r, d1_r, ws_r, wn_r, b_r, o_r):
    deg = jnp.maximum(d0_r[:, 0:1] + d1_r[:, 0:1], 1.0)
    agg = (p0_r[...] + p1_r[...]) / deg
    y = (jnp.dot(x_r[...], ws_r[...], preferred_element_type=jnp.float32)
         + jnp.dot(agg, wn_r[...], preferred_element_type=jnp.float32)
         + b_r[...])
    if relu:
      y = jnp.maximum(y, 0.0)
    o_r[...] = y

  return pl.pallas_call(
      body,
      grid=(N // BM,),
      in_specs=[
          pl.BlockSpec((BM, D), lambda i: (i, 0)),
          pl.BlockSpec((BM, D), lambda i: (i, 0)),
          pl.BlockSpec((BM, D), lambda i: (i, 0)),
          pl.BlockSpec((BM, D), lambda i: (i, 0)),
          pl.BlockSpec((BM, D), lambda i: (i, 0)),
          pl.BlockSpec((D, D), lambda i: (0, 0)),
          pl.BlockSpec((D, D), lambda i: (0, 0)),
          pl.BlockSpec((1, D), lambda i: (0, 0)),
      ],
      out_specs=pl.BlockSpec((BM, D), lambda i: (i, 0)),
      out_shape=jax.ShapeDtypeStruct((N, D), jnp.float32),
  )(x, p0, p1, d0, d1, Ws, Wn, b.reshape(1, D))


def kernel(x, edge_index, W_self1, W_neigh1, b1, W_self2, W_neigh2, b2):
  src = edge_index[0].astype(jnp.int32)
  dst = edge_index[1].astype(jnp.int32)
  pad = E_PAD - E
  src_p = jnp.concatenate([src, jnp.zeros((pad,), jnp.int32)])
  dst_p = jnp.concatenate([dst, jnp.full((pad,), N, jnp.int32)])

  zrow = jnp.zeros((ROWS_PER_TILE, D), jnp.float32)
  ones_h = jnp.ones((CHUNK, D), jnp.float32)

  agg1, degp = _sc_agg_deg(x, src_p, dst_p, zrow, ones_h)
  d0, d1 = degp[0, :N], degp[1, :N]
  h1 = _tc_layer(x, agg1[0, :N], agg1[1, :N], d0, d1,
                 W_self1, W_neigh1, b1, relu=True)

  agg2 = _sc_agg(h1, src_p, dst_p, zrow)
  out = _tc_layer(h1, agg2[0, :N], agg2[1, :N], d0, d1,
                  W_self2, W_neigh2, b2, relu=False)
  return out

# --- scband reference (transcript-rebuilt; emitter-appended) ---
"""Pipeline reference for scband-sage-44324062495051 (READ-ONLY COPY).

The authoritative reference and input builder live on the scoring server;
editing this copy changes nothing except your own understanding.
"""

import jax, jax.numpy as jnp
import numpy as np

N_NODES = 10000
N_EDGES = 320000
D = 128


def setup_inputs(seed: int = 0) -> dict:
    key = jax.random.key(seed)
    ks = jax.random.split(key, 9)
    x = jax.random.normal(ks[0], (N_NODES, D), dtype=jnp.float32)
    edge_index = jax.random.randint(ks[1], (2, N_EDGES), 0, N_NODES, dtype=jnp.int64)
    W_self1 = jax.random.normal(ks[2], (D, D), dtype=jnp.float32) * 0.05
    W_neigh1 = jax.random.normal(ks[3], (D, D), dtype=jnp.float32) * 0.05
    b1 = jnp.zeros((D,), dtype=jnp.float32)
    W_self2 = jax.random.normal(ks[4], (D, D), dtype=jnp.float32) * 0.05
    W_neigh2 = jax.random.normal(ks[5], (D, D), dtype=jnp.float32) * 0.05
    b2 = jnp.zeros((D,), dtype=jnp.float32)
    return {
        "x": x,
        "edge_index": edge_index,
        "W_self1": W_self1,
        "W_neigh1": W_neigh1,
        "b1": b1,
        "W_self2": W_self2,
        "W_neigh2": W_neigh2,
        "b2": b2,
    }


def reference(x, edge_index, W_self1, W_neigh1, b1, W_self2, W_neigh2, b2):
    # 2-layer GraphSAGE with 'mean' aggregator (DGL SAGEConv semantics):
    # h_neigh = mean_{src in N(dst)} h_src ; out = h_self @ W_self + h_neigh @ W_neigh + b
    # Layer 1 uses ReLU activation, last layer is Identity. dropout=0 (eval).
    src = edge_index[0]
    dst = edge_index[1]
    n = x.shape[0]
    deg = jax.ops.segment_sum(jnp.ones_like(src, dtype=x.dtype), dst, num_segments=n)
    deg = jnp.clip(deg, 1.0, None)

    def sage_layer(h, Ws, Wn, b):
        msg = h[src]  # gather (memory-bound)
        agg = jax.ops.segment_sum(msg, dst, num_segments=n)  # scatter-add
        agg = agg / deg[:, None]
        return h @ Ws + agg @ Wn + b

    h = jax.nn.relu(sage_layer(x, W_self1, W_neigh1, b1))
    h = sage_layer(h, W_self2, W_neigh2, b2)
    return h

if __name__ == "__main__":
    import jax
    _d = setup_inputs()
    print(jax.jit(kernel)(*tuple(_d.values())))

</pallas_src>

<mosaic_0001>
#map = affine_map<(d0, d1) -> (0, 0)>
#map1 = affine_map<(d0, d1) -> (0)>
#map2 = affine_map<(d0, d1) -> (0, 0, 0)>
module attributes {stable_mosaic.version = 14 : i64} {
  func.func @body(%arg0: i32, %arg1: i32, %arg2: memref<10000x128xf32, #tpu.memory_space<hbm>>, %arg3: memref<323584xi32, #tpu.memory_space<hbm>>, %arg4: memref<323584xi32, #tpu.memory_space<hbm>>, %arg5: memref<632x128xf32, #tpu.memory_space<hbm>>, %arg6: memref<128x128xf32, #tpu.memory_space<hbm>>, %arg7: memref<2x10112x128xf32, #tpu.memory_space<hbm>>, %arg8: memref<2x10112x128xf32, #tpu.memory_space<hbm>>, %arg9: memref<128xi32, #tpu.memory_space<vmem>>, %arg10: memref<128xi32, #tpu.memory_space<vmem>>, %arg11: memref<128x128xf32, #tpu.memory_space<vmem>>, %arg12: memref<10112x128xf32, #tpu.memory_space<vmem_shared>>, %arg13: memref<!tpu.dma_semaphore, #tpu.memory_space<semaphore_mem>>, %arg14: memref<128x128xf32, #tpu.memory_space<vmem>>) attributes {dimension_semantics = [#tpu.dimension_semantics<core_parallel>, #tpu.dimension_semantics<subcore_parallel>], iteration_bounds = array<i64: 2, 16>, scalar_prefetch = 0 : i64, scratch_operands = 6 : i64, tpu.core_type = #tpu.core_type<sc_vector_subcore>, window_params = [{transform_indices = #map}, {transform_indices = #map1}, {transform_indices = #map1}, {transform_indices = #map}, {transform_indices = #map}, {transform_indices = #map2}, {transform_indices = #map2}]} {
    %mul3A = arith.constant 16 : i32
    %mul3A_0 = arith.muli %arg0, %mul3A : i32
    %add3A = arith.addi %mul3A_0, %arg1 : i32
    %mul3A_1 = arith.constant 632 : i32
    %mul3A_2 = arith.muli %arg1, %mul3A_1 : i32
    %mul3A_3 = arith.constant 10112 : i32
    %mul3A_4 = arith.muli %add3A, %mul3A_3 : i32
    "tpu.region"() ({
      %run_scoped3A = tpu.sem_alloc : memref<!tpu.dma_semaphore, #tpu.memory_space<semaphore_mem>>
      %dma_start3A = arith.constant 0 : i32
      %dma_start3A_20 = tpu.memref_slice %arg12[%mul3A_2, %dma_start3A] : memref<10112x128xf32, #tpu.memory_space<vmem_shared>> -> memref<632x128xf32, #tpu.memory_space<vmem_shared>>
      tpu.enqueue_dma source(%arg5 : memref<632x128xf32, #tpu.memory_space<hbm>>) target(%dma_start3A_20 : memref<632x128xf32, #tpu.memory_space<vmem_shared>>) target_semaphore(%run_scoped3A : memref<!tpu.dma_semaphore, #tpu.memory_space<semaphore_mem>>)
      %dma_wait3A = arith.constant 0 : i32
      %dma_wait3A_21 = tpu.memref_slice %arg12[%mul3A_2, %dma_wait3A] : memref<10112x128xf32, #tpu.memory_space<vmem_shared>> -> memref<632x128xf32, #tpu.memory_space<vmem_shared>>
      tpu.wait_dma2 semaphore(%run_scoped3A : memref<!tpu.dma_semaphore, #tpu.memory_space<semaphore_mem>>) src(%arg5 : memref<632x128xf32, #tpu.memory_space<hbm>>) dst(%dma_wait3A_21 : memref<632x128xf32, #tpu.memory_space<vmem_shared>>)
      tpu.yield
    }) : () -> ()
    "tpu.region"() ({
      %run_scoped3A = tpu.sem_alloc : memref<!tpu.dma_semaphore, #tpu.memory_space<semaphore_mem>>
      tpu.enqueue_dma source(%arg6 : memref<128x128xf32, #tpu.memory_space<hbm>>) target(%arg14 : memref<128x128xf32, #tpu.memory_space<vmem>>) target_semaphore(%run_scoped3A : memref<!tpu.dma_semaphore, #tpu.memory_space<semaphore_mem>>)
      tpu.wait_dma2 semaphore(%run_scoped3A : memref<!tpu.dma_semaphore, #tpu.memory_space<semaphore_mem>>) src(%arg6 : memref<128x128xf32, #tpu.memory_space<hbm>>) dst(%arg14 : memref<128x128xf32, #tpu.memory_space<vmem>>)
      tpu.yield
    }) : () -> ()
    %barrier3A = arith.constant 0 : index
    tpu.barrier barrier_id(%barrier3A)
    %scan3A = arith.constant 0 : i32
    %scan3A_5 = arith.constant 0 : i32
    %scan3A_6 = arith.constant 79 : i32
    %scan3A_7 = arith.addi %scan3A_5, %scan3A_6 : i32
    %scan3A_8 = arith.constant 1 : i32
    scf.for %scan3A_20 = %scan3A_5 to %scan3A_7 step %scan3A_8  : i32 {
      %mul3A_21 = arith.constant 128 : i32
      %mul3A_22 = arith.muli %scan3A_20, %mul3A_21 : i32
      %add3A_23 = arith.addi %mul3A_4, %mul3A_22 : i32
      %multiple_of3A = tpu.assume_multiple %add3A_23, 128 : i32
      "tpu.region"() ({
        %run_scoped3A = tpu.sem_alloc : memref<!tpu.dma_semaphore, #tpu.memory_space<semaphore_mem>>
        %dma_start3A = tpu.memref_slice %arg4[%multiple_of3A] : memref<323584xi32, #tpu.memory_space<hbm>> -> memref<128xi32, #tpu.memory_space<hbm>>
        %dma_start3A_24 = tpu.memref_slice %arg4[%multiple_of3A] : memref<323584xi32, #tpu.memory_space<hbm>> -> memref<128xi32, #tpu.memory_space<hbm>>
        tpu.enqueue_dma source(%dma_start3A_24 : memref<128xi32, #tpu.memory_space<hbm>>) target(%arg10 : memref<128xi32, #tpu.memory_space<vmem>>) target_semaphore(%run_scoped3A : memref<!tpu.dma_semaphore, #tpu.memory_space<semaphore_mem>>)
        %dma_wait3A = tpu.memref_slice %arg4[%multiple_of3A] : memref<323584xi32, #tpu.memory_space<hbm>> -> memref<128xi32, #tpu.memory_space<hbm>>
        %dma_wait3A_25 = tpu.memref_slice %arg4[%multiple_of3A] : memref<323584xi32, #tpu.memory_space<hbm>> -> memref<128xi32, #tpu.memory_space<hbm>>
        tpu.wait_dma2 semaphore(%run_scoped3A : memref<!tpu.dma_semaphore, #tpu.memory_space<semaphore_mem>>) src(%dma_wait3A_25 : memref<128xi32, #tpu.memory_space<hbm>>) dst(%arg10 : memref<128xi32, #tpu.memory_space<vmem>>)
        tpu.yield
      }) : () -> ()
      "tpu.region"() ({
        %run_scoped3A = tpu.sem_alloc : memref<!tpu.dma_semaphore, #tpu.memory_space<semaphore_mem>>
        %dma_start3A = arith.constant 0 : i32
        %dma_start3A_24 = arith.constant 0 : i32
        %dma_start3A_25 = tpu.memref_slice %arg12[%dma_start3A, %dma_start3A_24] : memref<10112x128xf32, #tpu.memory_space<vmem_shared>> -> memref<10112x128xf32, #tpu.memory_space<vmem_shared>>
        tpu.enqueue_indirect_dma source(%arg14 : memref<128x128xf32, #tpu.memory_space<vmem>>) target(%dma_start3A_25 : memref<10112x128xf32, #tpu.memory_space<vmem_shared>>) offsets(%arg10 : memref<128xi32, #tpu.memory_space<vmem>>) semaphore(%run_scoped3A : memref<!tpu.dma_semaphore, #tpu.memory_space<semaphore_mem>>) {add = true}
        %dma_wait3A = arith.constant 0 : i32
        %dma_wait3A_26 = arith.constant 0 : i32
        %dma_wait3A_27 = tpu.memref_slice %arg12[%dma_wait3A, %dma_wait3A_26] : memref<10112x128xf32, #tpu.memory_space<vmem_shared>> -> memref<10112x128xf32, #tpu.memory_space<vmem_shared>>
        tpu.wait_indirect_dma semaphore(%run_scoped3A : memref<!tpu.dma_semaphore, #tpu.memory_space<semaphore_mem>>) src(%arg14 : memref<128x128xf32, #tpu.memory_space<vmem>>) dst(%dma_wait3A_27 : memref<10112x128xf32, #tpu.memory_space<vmem_shared>>)
        tpu.yield
      }) : () -> ()
    }
    %scan3A_9 = arith.constant 79 : i32
    %barrier3A_10 = arith.constant 0 : index
    tpu.barrier barrier_id(%barrier3A_10)
    "tpu.region"() ({
      %run_scoped3A = tpu.sem_alloc : memref<!tpu.dma_semaphore, #tpu.memory_space<semaphore_mem>>
      %dma_start3A = arith.constant 0 : i32
      %dma_start3A_20 = arith.constant 0 : i32
      %dma_start3A_21 = tpu.memref_slice %arg8[%arg0, %dma_start3A, %dma_start3A_20] : memref<2x10112x128xf32, #tpu.memory_space<hbm>> -> memref<1x10112x128xf32, #tpu.memory_space<hbm>>
      %dma_start3A_22 = tpu.memref_squeeze %dma_start3A_21 : memref<1x10112x128xf32, #tpu.memory_space<hbm>> -> memref<10112x128xf32, #tpu.memory_space<hbm>>
      %dma_start3A_23 = arith.constant 0 : i32
      %dma_start3A_24 = tpu.memref_slice %dma_start3A_22[%mul3A_2, %dma_start3A_23] : memref<10112x128xf32, #tpu.memory_space<hbm>> -> memref<632x128xf32, #tpu.memory_space<hbm>>
      %dma_start3A_25 = arith.constant 0 : i32
      %dma_start3A_26 = tpu.memref_slice %arg12[%mul3A_2, %dma_start3A_25] : memref<10112x128xf32, #tpu.memory_space<vmem_shared>> -> memref<632x128xf32, #tpu.memory_space<vmem_shared>>
      tpu.enqueue_dma source(%dma_start3A_26 : memref<632x128xf32, #tpu.memory_space<vmem_shared>>) target(%dma_start3A_24 : memref<632x128xf32, #tpu.memory_space<hbm>>) target_semaphore(%run_scoped3A : memref<!tpu.dma_semaphore, #tpu.memory_space<semaphore_mem>>)
      %dma_wait3A = arith.constant 0 : i32
      %dma_wait3A_27 = arith.constant 0 : i32
      %dma_wait3A_28 = tpu.memref_slice %arg8[%arg0, %dma_wait3A, %dma_wait3A_27] : memref<2x10112x128xf32, #tpu.memory_space<hbm>> -> memref<1x10112x128xf32, #tpu.memory_space<hbm>>
      %dma_wait3A_29 = tpu.memref_squeeze %dma_wait3A_28 : memref<1x10112x128xf32, #tpu.memory_space<hbm>> -> memref<10112x128xf32, #tpu.memory_space<hbm>>
      %dma_wait3A_30 = arith.constant 0 : i32
      %dma_wait3A_31 = tpu.memref_slice %dma_wait3A_29[%mul3A_2, %dma_wait3A_30] : memref<10112x128xf32, #tpu.memory_space<hbm>> -> memref<632x128xf32, #tpu.memory_space<hbm>>
      %dma_wait3A_32 = arith.constant 0 : i32
      %dma_wait3A_33 = tpu.memref_slice %arg12[%mul3A_2, %dma_wait3A_32] : memref<10112x128xf32, #tpu.memory_space<vmem_shared>> -> memref<632x128xf32, #tpu.memory_space<vmem_shared>>
      tpu.wait_dma2 semaphore(%run_scoped3A : memref<!tpu.dma_semaphore, #tpu.memory_space<semaphore_mem>>) src(%dma_wait3A_33 : memref<632x128xf32, #tpu.memory_space<vmem_shared>>) dst(%dma_wait3A_31 : memref<632x128xf32, #tpu.memory_space<hbm>>)
      tpu.yield
    }) : () -> ()
    %barrier3A_11 = arith.constant 0 : index
    tpu.barrier barrier_id(%barrier3A_11)
    "tpu.region"() ({
      %run_scoped3A = tpu.sem_alloc : memref<!tpu.dma_semaphore, #tpu.memory_space<semaphore_mem>>
      %dma_start3A = arith.constant 0 : i32
      %dma_start3A_20 = tpu.memref_slice %arg12[%mul3A_2, %dma_start3A] : memref<10112x128xf32, #tpu.memory_space<vmem_shared>> -> memref<632x128xf32, #tpu.memory_space<vmem_shared>>
      tpu.enqueue_dma source(%arg5 : memref<632x128xf32, #tpu.memory_space<hbm>>) target(%dma_start3A_20 : memref<632x128xf32, #tpu.memory_space<vmem_shared>>) target_semaphore(%run_scoped3A : memref<!tpu.dma_semaphore, #tpu.memory_space<semaphore_mem>>)
      %dma_wait3A = arith.constant 0 : i32
      %dma_wait3A_21 = tpu.memref_slice %arg12[%mul3A_2, %dma_wait3A] : memref<10112x128xf32, #tpu.memory_space<vmem_shared>> -> memref<632x128xf32, #tpu.memory_space<vmem_shared>>
      tpu.wait_dma2 semaphore(%run_scoped3A : memref<!tpu.dma_semaphore, #tpu.memory_space<semaphore_mem>>) src(%arg5 : memref<632x128xf32, #tpu.memory_space<hbm>>) dst(%dma_wait3A_21 : memref<632x128xf32, #tpu.memory_space<vmem_shared>>)
      tpu.yield
    }) : () -> ()
    %barrier3A_12 = arith.constant 0 : index
    tpu.barrier barrier_id(%barrier3A_12)
    %scan3A_13 = arith.constant 0 : i32
    %scan3A_14 = arith.constant 0 : i32
    %scan3A_15 = arith.constant 79 : i32
    %scan3A_16 = arith.addi %scan3A_14, %scan3A_15 : i32
    %scan3A_17 = arith.constant 1 : i32
    scf.for %scan3A_20 = %scan3A_14 to %scan3A_16 step %scan3A_17  : i32 {
      %mul3A_21 = arith.constant 128 : i32
      %mul3A_22 = arith.muli %scan3A_20, %mul3A_21 : i32
      %add3A_23 = arith.addi %mul3A_4, %mul3A_22 : i32
      %multiple_of3A = tpu.assume_multiple %add3A_23, 128 : i32
      "tpu.region"() ({
        %run_scoped3A = tpu.sem_alloc : memref<!tpu.dma_semaphore, #tpu.memory_space<semaphore_mem>>
        %dma_start3A_28 = tpu.memref_slice %arg3[%multiple_of3A] : memref<323584xi32, #tpu.memory_space<hbm>> -> memref<128xi32, #tpu.memory_space<hbm>>
        %dma_start3A_29 = tpu.memref_slice %arg3[%multiple_of3A] : memref<323584xi32, #tpu.memory_space<hbm>> -> memref<128xi32, #tpu.memory_space<hbm>>
        tpu.enqueue_dma source(%dma_start3A_29 : memref<128xi32, #tpu.memory_space<hbm>>) target(%arg9 : memref<128xi32, #tpu.memory_space<vmem>>) target_semaphore(%run_scoped3A : memref<!tpu.dma_semaphore, #tpu.memory_space<semaphore_mem>>)
        %dma_wait3A_30 = tpu.memref_slice %arg3[%multiple_of3A] : memref<323584xi32, #tpu.memory_space<hbm>> -> memref<128xi32, #tpu.memory_space<hbm>>
        %dma_wait3A_31 = tpu.memref_slice %arg3[%multiple_of3A] : memref<323584xi32, #tpu.memory_space<hbm>> -> memref<128xi32, #tpu.memory_space<hbm>>
        tpu.wait_dma2 semaphore(%run_scoped3A : memref<!tpu.dma_semaphore, #tpu.memory_space<semaphore_mem>>) src(%dma_wait3A_31 : memref<128xi32, #tpu.memory_space<hbm>>) dst(%arg9 : memref<128xi32, #tpu.memory_space<vmem>>)
        tpu.yield
      }) : () -> ()
      "tpu.region"() ({
        %run_scoped3A = tpu.sem_alloc : memref<!tpu.dma_semaphore, #tpu.memory_space<semaphore_mem>>
        %dma_start3A_28 = tpu.memref_slice %arg4[%multiple_of3A] : memref<323584xi32, #tpu.memory_space<hbm>> -> memref<128xi32, #tpu.memory_space<hbm>>
        %dma_start3A_29 = tpu.memref_slice %arg4[%multiple_of3A] : memref<323584xi32, #tpu.memory_space<hbm>> -> memref<128xi32, #tpu.memory_space<hbm>>
        tpu.enqueue_dma source(%dma_start3A_29 : memref<128xi32, #tpu.memory_space<hbm>>) target(%arg10 : memref<128xi32, #tpu.memory_space<vmem>>) target_semaphore(%run_scoped3A : memref<!tpu.dma_semaphore, #tpu.memory_space<semaphore_mem>>)
        %dma_wait3A_30 = tpu.memref_slice %arg4[%multiple_of3A] : memref<323584xi32, #tpu.memory_space<hbm>> -> memref<128xi32, #tpu.memory_space<hbm>>
        %dma_wait3A_31 = tpu.memref_slice %arg4[%multiple_of3A] : memref<323584xi32, #tpu.memory_space<hbm>> -> memref<128xi32, #tpu.memory_space<hbm>>
        tpu.wait_dma2 semaphore(%run_scoped3A : memref<!tpu.dma_semaphore, #tpu.memory_space<semaphore_mem>>) src(%dma_wait3A_31 : memref<128xi32, #tpu.memory_space<hbm>>) dst(%arg10 : memref<128xi32, #tpu.memory_space<vmem>>)
        tpu.yield
      }) : () -> ()
      %dma_start3A = arith.constant 0 : i32
      %dma_start3A_24 = arith.constant 0 : i32
      %dma_start3A_25 = tpu.memref_slice %arg2[%dma_start3A, %dma_start3A_24] : memref<10000x128xf32, #tpu.memory_space<hbm>> -> memref<10000x128xf32, #tpu.memory_space<hbm>>
      tpu.enqueue_indirect_dma source(%dma_start3A_25 : memref<10000x128xf32, #tpu.memory_space<hbm>>) target(%arg11 : memref<128x128xf32, #tpu.memory_space<vmem>>) offsets(%arg9 : memref<128xi32, #tpu.memory_space<vmem>>) semaphore(%arg13 : memref<!tpu.dma_semaphore, #tpu.memory_space<semaphore_mem>>)
      %dma_wait3A = arith.constant 0 : i32
      %dma_wait3A_26 = arith.constant 0 : i32
      %dma_wait3A_27 = tpu.memref_slice %arg2[%dma_wait3A, %dma_wait3A_26] : memref<10000x128xf32, #tpu.memory_space<hbm>> -> memref<10000x128xf32, #tpu.memory_space<hbm>>
      tpu.wait_indirect_dma semaphore(%arg13 : memref<!tpu.dma_semaphore, #tpu.memory_space<semaphore_mem>>) src(%dma_wait3A_27 : memref<10000x128xf32, #tpu.memory_space<hbm>>) dst(%arg11 : memref<128x128xf32, #tpu.memory_space<vmem>>)
      "tpu.region"() ({
        %run_scoped3A = tpu.sem_alloc : memref<!tpu.dma_semaphore, #tpu.memory_space<semaphore_mem>>
        %dma_start3A_28 = arith.constant 0 : i32
        %dma_start3A_29 = arith.constant 0 : i32
        %dma_start3A_30 = tpu.memref_slice %arg12[%dma_start3A_28, %dma_start3A_29] : memref<10112x128xf32, #tpu.memory_space<vmem_shared>> -> memref<10112x128xf32, #tpu.memory_space<vmem_shared>>
        tpu.enqueue_indirect_dma source(%arg11 : memref<128x128xf32, #tpu.memory_space<vmem>>) target(%dma_start3A_30 : memref<10112x128xf32, #tpu.memory_space<vmem_shared>>) offsets(%arg10 : memref<128xi32, #tpu.memory_space<vmem>>) semaphore(%run_scoped3A : memref<!tpu.dma_semaphore, #tpu.memory_space<semaphore_mem>>) {add = true}
        %dma_wait3A_31 = arith.constant 0 : i32
        %dma_wait3A_32 = arith.constant 0 : i32
        %dma_wait3A_33 = tpu.memref_slice %arg12[%dma_wait3A_31, %dma_wait3A_32] : memref<10112x128xf32, #tpu.memory_space<vmem_shared>> -> memref<10112x128xf32, #tpu.memory_space<vmem_shared>>
        tpu.wait_indirect_dma semaphore(%run_scoped3A : memref<!tpu.dma_semaphore, #tpu.memory_space<semaphore_mem>>) src(%arg11 : memref<128x128xf32, #tpu.memory_space<vmem>>) dst(%dma_wait3A_33 : memref<10112x128xf32, #tpu.memory_space<vmem_shared>>)
        tpu.yield
      }) : () -> ()
    }
    %scan3A_18 = arith.constant 79 : i32
    %barrier3A_19 = arith.constant 0 : index
    tpu.barrier barrier_id(%barrier3A_19)
    "tpu.region"() ({
      %run_scoped3A = tpu.sem_alloc : memref<!tpu.dma_semaphore, #tpu.memory_space<semaphore_mem>>
      %dma_start3A = arith.constant 0 : i32
      %dma_start3A_20 = arith.constant 0 : i32
      %dma_start3A_21 = tpu.memref_slice %arg7[%arg0, %dma_start3A, %dma_start3A_20] : memref<2x10112x128xf32, #tpu.memory_space<hbm>> -> memref<1x10112x128xf32, #tpu.memory_space<hbm>>
      %dma_start3A_22 = tpu.memref_squeeze %dma_start3A_21 : memref<1x10112x128xf32, #tpu.memory_space<hbm>> -> memref<10112x128xf32, #tpu.memory_space<hbm>>
      %dma_start3A_23 = arith.constant 0 : i32
      %dma_start3A_24 = tpu.memref_slice %dma_start3A_22[%mul3A_2, %dma_start3A_23] : memref<10112x128xf32, #tpu.memory_space<hbm>> -> memref<632x128xf32, #tpu.memory_space<hbm>>
      %dma_start3A_25 = arith.constant 0 : i32
      %dma_start3A_26 = tpu.memref_slice %arg12[%mul3A_2, %dma_start3A_25] : memref<10112x128xf32, #tpu.memory_space<vmem_shared>> -> memref<632x128xf32, #tpu.memory_space<vmem_shared>>
      tpu.enqueue_dma source(%dma_start3A_26 : memref<632x128xf32, #tpu.memory_space<vmem_shared>>) target(%dma_start3A_24 : memref<632x128xf32, #tpu.memory_space<hbm>>) target_semaphore(%run_scoped3A : memref<!tpu.dma_semaphore, #tpu.memory_space<semaphore_mem>>)
      %dma_wait3A = arith.constant 0 : i32
      %dma_wait3A_27 = arith.constant 0 : i32
      %dma_wait3A_28 = tpu.memref_slice %arg7[%arg0, %dma_wait3A, %dma_wait3A_27] : memref<2x10112x128xf32, #tpu.memory_space<hbm>> -> memref<1x10112x128xf32, #tpu.memory_space<hbm>>
      %dma_wait3A_29 = tpu.memref_squeeze %dma_wait3A_28 : memref<1x10112x128xf32, #tpu.memory_space<hbm>> -> memref<10112x128xf32, #tpu.memory_space<hbm>>
      %dma_wait3A_30 = arith.constant 0 : i32
      %dma_wait3A_31 = tpu.memref_slice %dma_wait3A_29[%mul3A_2, %dma_wait3A_30] : memref<10112x128xf32, #tpu.memory_space<hbm>> -> memref<632x128xf32, #tpu.memory_space<hbm>>
      %dma_wait3A_32 = arith.constant 0 : i32
      %dma_wait3A_33 = tpu.memref_slice %arg12[%mul3A_2, %dma_wait3A_32] : memref<10112x128xf32, #tpu.memory_space<vmem_shared>> -> memref<632x128xf32, #tpu.memory_space<vmem_shared>>
      tpu.wait_dma2 semaphore(%run_scoped3A : memref<!tpu.dma_semaphore, #tpu.memory_space<semaphore_mem>>) src(%dma_wait3A_33 : memref<632x128xf32, #tpu.memory_space<vmem_shared>>) dst(%dma_wait3A_31 : memref<632x128xf32, #tpu.memory_space<hbm>>)
      tpu.yield
    }) : () -> ()
    return
  }
}

#map = affine_map<(d0, d1) -> (0, 0)>
#map1 = affine_map<(d0, d1) -> (0)>
#map2 = affine_map<(d0, d1) -> (0, 0, 0)>
module attributes {stable_mosaic.version = 14 : i64} {
  func.func @body(%arg0: i32, %arg1: i32, %arg2: memref<10000x128xf32, #tpu.memory_space<hbm>>, %arg3: memref<323584xi32, #tpu.memory_space<hbm>>, %arg4: memref<323584xi32, #tpu.memory_space<hbm>>, %arg5: memref<632x128xf32, #tpu.memory_space<hbm>>, %arg6: memref<2x10112x128xf32, #tpu.memory_space<hbm>>, %arg7: memref<128xi32, #tpu.memory_space<vmem>>, %arg8: memref<128xi32, #tpu.memory_space<vmem>>, %arg9: memref<128x128xf32, #tpu.memory_space<vmem>>, %arg10: memref<10112x128xf32, #tpu.memory_space<vmem_shared>>, %arg11: memref<!tpu.dma_semaphore, #tpu.memory_space<semaphore_mem>>) attributes {dimension_semantics = [#tpu.dimension_semantics<core_parallel>, #tpu.dimension_semantics<subcore_parallel>], iteration_bounds = array<i64: 2, 16>, scalar_prefetch = 0 : i64, scratch_operands = 5 : i64, tpu.core_type = #tpu.core_type<sc_vector_subcore>, window_params = [{transform_indices = #map}, {transform_indices = #map1}, {transform_indices = #map1}, {transform_indices = #map}, {transform_indices = #map2}]} {
    %mul3A = arith.constant 16 : i32
    %mul3A_0 = arith.muli %arg0, %mul3A : i32
    %add3A = arith.addi %mul3A_0, %arg1 : i32
    %mul3A_1 = arith.constant 632 : i32
    %mul3A_2 = arith.muli %arg1, %mul3A_1 : i32
    %mul3A_3 = arith.constant 10112 : i32
    %mul3A_4 = arith.muli %add3A, %mul3A_3 : i32
    "tpu.region"() ({
      %run_scoped3A = tpu.sem_alloc : memref<!tpu.dma_semaphore, #tpu.memory_space<semaphore_mem>>
      %dma_start3A = arith.constant 0 : i32
      %dma_start3A_11 = tpu.memref_slice %arg10[%mul3A_2, %dma_start3A] : memref<10112x128xf32, #tpu.memory_space<vmem_shared>> -> memref<632x128xf32, #tpu.memory_space<vmem_shared>>
      tpu.enqueue_dma source(%arg5 : memref<632x128xf32, #tpu.memory_space<hbm>>) target(%dma_start3A_11 : memref<632x128xf32, #tpu.memory_space<vmem_shared>>) target_semaphore(%run_scoped3A : memref<!tpu.dma_semaphore, #tpu.memory_space<semaphore_mem>>)
      %dma_wait3A = arith.constant 0 : i32
      %dma_wait3A_12 = tpu.memref_slice %arg10[%mul3A_2, %dma_wait3A] : memref<10112x128xf32, #tpu.memory_space<vmem_shared>> -> memref<632x128xf32, #tpu.memory_space<vmem_shared>>
      tpu.wait_dma2 semaphore(%run_scoped3A : memref<!tpu.dma_semaphore, #tpu.memory_space<semaphore_mem>>) src(%arg5 : memref<632x128xf32, #tpu.memory_space<hbm>>) dst(%dma_wait3A_12 : memref<632x128xf32, #tpu.memory_space<vmem_shared>>)
      tpu.yield
    }) : () -> ()
    %barrier3A = arith.constant 0 : index
    tpu.barrier barrier_id(%barrier3A)
    %scan3A = arith.constant 0 : i32
    %scan3A_5 = arith.constant 0 : i32
    %scan3A_6 = arith.constant 79 : i32
    %scan3A_7 = arith.addi %scan3A_5, %scan3A_6 : i32
    %scan3A_8 = arith.constant 1 : i32
    scf.for %scan3A_11 = %scan3A_5 to %scan3A_7 step %scan3A_8  : i32 {
      %mul3A_12 = arith.constant 128 : i32
      %mul3A_13 = arith.muli %scan3A_11, %mul3A_12 : i32
      %add3A_14 = arith.addi %mul3A_4, %mul3A_13 : i32
      %multiple_of3A = tpu.assume_multiple %add3A_14, 128 : i32
      "tpu.region"() ({
        %run_scoped3A = tpu.sem_alloc : memref<!tpu.dma_semaphore, #tpu.memory_space<semaphore_mem>>
        %dma_start3A_19 = tpu.memref_slice %arg3[%multiple_of3A] : memref<323584xi32, #tpu.memory_space<hbm>> -> memref<128xi32, #tpu.memory_space<hbm>>
        %dma_start3A_20 = tpu.memref_slice %arg3[%multiple_of3A] : memref<323584xi32, #tpu.memory_space<hbm>> -> memref<128xi32, #tpu.memory_space<hbm>>
        tpu.enqueue_dma source(%dma_start3A_20 : memref<128xi32, #tpu.memory_space<hbm>>) target(%arg7 : memref<128xi32, #tpu.memory_space<vmem>>) target_semaphore(%run_scoped3A : memref<!tpu.dma_semaphore, #tpu.memory_space<semaphore_mem>>)
        %dma_wait3A_21 = tpu.memref_slice %arg3[%multiple_of3A] : memref<323584xi32, #tpu.memory_space<hbm>> -> memref<128xi32, #tpu.memory_space<hbm>>
        %dma_wait3A_22 = tpu.memref_slice %arg3[%multiple_of3A] : memref<323584xi32, #tpu.memory_space<hbm>> -> memref<128xi32, #tpu.memory_space<hbm>>
        tpu.wait_dma2 semaphore(%run_scoped3A : memref<!tpu.dma_semaphore, #tpu.memory_space<semaphore_mem>>) src(%dma_wait3A_22 : memref<128xi32, #tpu.memory_space<hbm>>) dst(%arg7 : memref<128xi32, #tpu.memory_space<vmem>>)
        tpu.yield
      }) : () -> ()
      "tpu.region"() ({
        %run_scoped3A = tpu.sem_alloc : memref<!tpu.dma_semaphore, #tpu.memory_space<semaphore_mem>>
        %dma_start3A_19 = tpu.memref_slice %arg4[%multiple_of3A] : memref<323584xi32, #tpu.memory_space<hbm>> -> memref<128xi32, #tpu.memory_space<hbm>>
        %dma_start3A_20 = tpu.memref_slice %arg4[%multiple_of3A] : memref<323584xi32, #tpu.memory_space<hbm>> -> memref<128xi32, #tpu.memory_space<hbm>>
        tpu.enqueue_dma source(%dma_start3A_20 : memref<128xi32, #tpu.memory_space<hbm>>) target(%arg8 : memref<128xi32, #tpu.memory_space<vmem>>) target_semaphore(%run_scoped3A : memref<!tpu.dma_semaphore, #tpu.memory_space<semaphore_mem>>)
        %dma_wait3A_21 = tpu.memref_slice %arg4[%multiple_of3A] : memref<323584xi32, #tpu.memory_space<hbm>> -> memref<128xi32, #tpu.memory_space<hbm>>
        %dma_wait3A_22 = tpu.memref_slice %arg4[%multiple_of3A] : memref<323584xi32, #tpu.memory_space<hbm>> -> memref<128xi32, #tpu.memory_space<hbm>>
        tpu.wait_dma2 semaphore(%run_scoped3A : memref<!tpu.dma_semaphore, #tpu.memory_space<semaphore_mem>>) src(%dma_wait3A_22 : memref<128xi32, #tpu.memory_space<hbm>>) dst(%arg8 : memref<128xi32, #tpu.memory_space<vmem>>)
        tpu.yield
      }) : () -> ()
      %dma_start3A = arith.constant 0 : i32
      %dma_start3A_15 = arith.constant 0 : i32
      %dma_start3A_16 = tpu.memref_slice %arg2[%dma_start3A, %dma_start3A_15] : memref<10000x128xf32, #tpu.memory_space<hbm>> -> memref<10000x128xf32, #tpu.memory_space<hbm>>
      tpu.enqueue_indirect_dma source(%dma_start3A_16 : memref<10000x128xf32, #tpu.memory_space<hbm>>) target(%arg9 : memref<128x128xf32, #tpu.memory_space<vmem>>) offsets(%arg7 : memref<128xi32, #tpu.memory_space<vmem>>) semaphore(%arg11 : memref<!tpu.dma_semaphore, #tpu.memory_space<semaphore_mem>>)
      %dma_wait3A = arith.constant 0 : i32
      %dma_wait3A_17 = arith.constant 0 : i32
      %dma_wait3A_18 = tpu.memref_slice %arg2[%dma_wait3A, %dma_wait3A_17] : memref<10000x128xf32, #tpu.memory_space<hbm>> -> memref<10000x128xf32, #tpu.memory_space<hbm>>
      tpu.wait_indirect_dma semaphore(%arg11 : memref<!tpu.dma_semaphore, #tpu.memory_space<semaphore_mem>>) src(%dma_wait3A_18 : memref<10000x128xf32, #tpu.memory_space<hbm>>) dst(%arg9 : memref<128x128xf32, #tpu.memory_space<vmem>>)
      "tpu.region"() ({
        %run_scoped3A = tpu.sem_alloc : memref<!tpu.dma_semaphore, #tpu.memory_space<semaphore_mem>>
        %dma_start3A_19 = arith.constant 0 : i32
        %dma_start3A_20 = arith.constant 0 : i32
        %dma_start3A_21 = tpu.memref_slice %arg10[%dma_start3A_19, %dma_start3A_20] : memref<10112x128xf32, #tpu.memory_space<vmem_shared>> -> memref<10112x128xf32, #tpu.memory_space<vmem_shared>>
        tpu.enqueue_indirect_dma source(%arg9 : memref<128x128xf32, #tpu.memory_space<vmem>>) target(%dma_start3A_21 : memref<10112x128xf32, #tpu.memory_space<vmem_shared>>) offsets(%arg8 : memref<128xi32, #tpu.memory_space<vmem>>) semaphore(%run_scoped3A : memref<!tpu.dma_semaphore, #tpu.memory_space<semaphore_mem>>) {add = true}
        %dma_wait3A_22 = arith.constant 0 : i32
        %dma_wait3A_23 = arith.constant 0 : i32
        %dma_wait3A_24 = tpu.memref_slice %arg10[%dma_wait3A_22, %dma_wait3A_23] : memref<10112x128xf32, #tpu.memory_space<vmem_shared>> -> memref<10112x128xf32, #tpu.memory_space<vmem_shared>>
        tpu.wait_indirect_dma semaphore(%run_scoped3A : memref<!tpu.dma_semaphore, #tpu.memory_space<semaphore_mem>>) src(%arg9 : memref<128x128xf32, #tpu.memory_space<vmem>>) dst(%dma_wait3A_24 : memref<10112x128xf32, #tpu.memory_space<vmem_shared>>)
        tpu.yield
      }) : () -> ()
    }
    %scan3A_9 = arith.constant 79 : i32
    %barrier3A_10 = arith.constant 0 : index
    tpu.barrier barrier_id(%barrier3A_10)
    "tpu.region"() ({
      %run_scoped3A = tpu.sem_alloc : memref<!tpu.dma_semaphore, #tpu.memory_space<semaphore_mem>>
      %dma_start3A = arith.constant 0 : i32
      %dma_start3A_11 = arith.constant 0 : i32
      %dma_start3A_12 = tpu.memref_slice %arg6[%arg0, %dma_start3A, %dma_start3A_11] : memref<2x10112x128xf32, #tpu.memory_space<hbm>> -> memref<1x10112x128xf32, #tpu.memory_space<hbm>>
      %dma_start3A_13 = tpu.memref_squeeze %dma_start3A_12 : memref<1x10112x128xf32, #tpu.memory_space<hbm>> -> memref<10112x128xf32, #tpu.memory_space<hbm>>
      %dma_start3A_14 = arith.constant 0 : i32
      %dma_start3A_15 = tpu.memref_slice %dma_start3A_13[%mul3A_2, %dma_start3A_14] : memref<10112x128xf32, #tpu.memory_space<hbm>> -> memref<632x128xf32, #tpu.memory_space<hbm>>
      %dma_start3A_16 = arith.constant 0 : i32
      %dma_start3A_17 = tpu.memref_slice %arg10[%mul3A_2, %dma_start3A_16] : memref<10112x128xf32, #tpu.memory_space<vmem_shared>> -> memref<632x128xf32, #tpu.memory_space<vmem_shared>>
      tpu.enqueue_dma source(%dma_start3A_17 : memref<632x128xf32, #tpu.memory_space<vmem_shared>>) target(%dma_start3A_15 : memref<632x128xf32, #tpu.memory_space<hbm>>) target_semaphore(%run_scoped3A : memref<!tpu.dma_semaphore, #tpu.memory_space<semaphore_mem>>)
      %dma_wait3A = arith.constant 0 : i32
      %dma_wait3A_18 = arith.constant 0 : i32
      %dma_wait3A_19 = tpu.memref_slice %arg6[%arg0, %dma_wait3A, %dma_wait3A_18] : memref<2x10112x128xf32, #tpu.memory_space<hbm>> -> memref<1x10112x128xf32, #tpu.memory_space<hbm>>
      %dma_wait3A_20 = tpu.memref_squeeze %dma_wait3A_19 : memref<1x10112x128xf32, #tpu.memory_space<hbm>> -> memref<10112x128xf32, #tpu.memory_space<hbm>>
      %dma_wait3A_21 = arith.constant 0 : i32
      %dma_wait3A_22 = tpu.memref_slice %dma_wait3A_20[%mul3A_2, %dma_wait3A_21] : memref<10112x128xf32, #tpu.memory_space<hbm>> -> memref<632x128xf32, #tpu.memory_space<hbm>>
      %dma_wait3A_23 = arith.constant 0 : i32
      %dma_wait3A_24 = tpu.memref_slice %arg10[%mul3A_2, %dma_wait3A_23] : memref<10112x128xf32, #tpu.memory_space<vmem_shared>> -> memref<632x128xf32, #tpu.memory_space<vmem_shared>>
      tpu.wait_dma2 semaphore(%run_scoped3A : memref<!tpu.dma_semaphore, #tpu.memory_space<semaphore_mem>>) src(%dma_wait3A_24 : memref<632x128xf32, #tpu.memory_space<vmem_shared>>) dst(%dma_wait3A_22 : memref<632x128xf32, #tpu.memory_space<hbm>>)
      tpu.yield
    }) : () -> ()
    return
  }
}

module attributes {stable_mosaic.version = 14 : i64} {
  func.func @body(%arg0: i32, %arg1: memref<5000x128xf32, #tpu.memory_space<vmem>>, %arg2: memref<5000x128xf32, #tpu.memory_space<vmem>>, %arg3: memref<5000x128xf32, #tpu.memory_space<vmem>>, %arg4: memref<5000x128xf32, #tpu.memory_space<vmem>>, %arg5: memref<5000x128xf32, #tpu.memory_space<vmem>>, %arg6: memref<128x128xf32, #tpu.memory_space<vmem>>, %arg7: memref<128x128xf32, #tpu.memory_space<vmem>>, %arg8: memref<1x128xf32, #tpu.memory_space<vmem>>, %arg9: memref<5000x128xf32, #tpu.memory_space<vmem>>) attributes {dimension_semantics = [#tpu.dimension_semantics<arbitrary>], iteration_bounds = array<i64: 2>, scalar_prefetch = 0 : i64, scratch_operands = 0 : i64, tpu.core_type = #tpu.core_type<tc>, window_params = [{transform_indices = @transform_0, window_bounds = array<i64: 5000, 128>}, {transform_indices = @transform_1, window_bounds = array<i64: 5000, 128>}, {transform_indices = @transform_2, window_bounds = array<i64: 5000, 128>}, {transform_indices = @transform_3, window_bounds = array<i64: 5000, 128>}, {transform_indices = @transform_4, window_bounds = array<i64: 5000, 128>}, {pipeline_mode = #tpu.pipeline_mode<synchronous>, transform_indices = @transform_5, window_bounds = array<i64: 128, 128>}, {pipeline_mode = #tpu.pipeline_mode<synchronous>, transform_indices = @transform_6, window_bounds = array<i64: 128, 128>}, {pipeline_mode = #tpu.pipeline_mode<synchronous>, transform_indices = @transform_7, window_bounds = array<i64: 1, 128>}, {transform_indices = @transform_8, window_bounds = array<i64: 5000, 128>}]} {
    %get3A = arith.constant 0 : index
    %get3A_0 = arith.constant 0 : index
    %get3A_1 = vector.load %arg4[%get3A, %get3A_0] : memref<5000x128xf32, #tpu.memory_space<vmem>>, vector<5000x1xf32>
    %get3A_2 = arith.constant 0 : index
    %get3A_3 = arith.constant 0 : index
    %get3A_4 = vector.load %arg5[%get3A_2, %get3A_3] : memref<5000x128xf32, #tpu.memory_space<vmem>>, vector<5000x1xf32>
    %add3A = arith.addf %get3A_1, %get3A_4 : vector<5000x1xf32>
    %max3A = arith.constant 1.000000e+00 : f32
    %max3A_5 = vector.broadcast %max3A : f32 to vector<5000x1xf32>
    %max3A_6 = arith.maximumf %add3A, %max3A_5 : vector<5000x1xf32>
    %get3A_7 = arith.constant 0 : index
    %get3A_8 = arith.constant 0 : index
    %get3A_9 = vector.load %arg2[%get3A_7, %get3A_8] : memref<5000x128xf32, #tpu.memory_space<vmem>>, vector<5000x128xf32>
    %get3A_10 = arith.constant 0 : index
    %get3A_11 = arith.constant 0 : index
    %get3A_12 = vector.load %arg3[%get3A_10, %get3A_11] : memref<5000x128xf32, #tpu.memory_space<vmem>>, vector<5000x128xf32>
    %add3A_13 = arith.addf %get3A_9, %get3A_12 : vector<5000x128xf32>
    %div3A = vector.broadcast %max3A_6 : vector<5000x1xf32> to vector<5000x128xf32>
    %div3A_14 = arith.divf %add3A_13, %div3A : vector<5000x128xf32>
    %get3A_15 = arith.constant 0 : index
    %get3A_16 = arith.constant 0 : index
    %get3A_17 = vector.load %arg1[%get3A_15, %get3A_16] : memref<5000x128xf32, #tpu.memory_space<vmem>>, vector<5000x128xf32>
    %get3A_18 = arith.constant 0 : index
    %get3A_19 = arith.constant 0 : index
    %get3A_20 = vector.load %arg6[%get3A_18, %get3A_19] : memref<128x128xf32, #tpu.memory_space<vmem>>, vector<128x128xf32>
    %dot_general3A = arith.constant dense<0.000000e+00> : vector<5000x128xf32>
    %dot_general3A_21 = tpu.matmul %get3A_17, %get3A_20, %dot_general3A {dimension_numbers = #tpu.dot_dimension_numbers<[1], [0], [0], [1], [0, 0, 1, 1], [], []>, transpose_lhs_hint = false} : vector<5000x128xf32>, vector<128x128xf32>, vector<5000x128xf32> -> vector<5000x128xf32>
    %get3A_22 = arith.constant 0 : index
    %get3A_23 = arith.constant 0 : index
    %get3A_24 = vector.load %arg7[%get3A_22, %get3A_23] : memref<128x128xf32, #tpu.memory_space<vmem>>, vector<128x128xf32>
    %dot_general3A_25 = arith.constant dense<0.000000e+00> : vector<5000x128xf32>
    %dot_general3A_26 = tpu.matmul %div3A_14, %get3A_24, %dot_general3A_25 {dimension_numbers = #tpu.dot_dimension_numbers<[1], [0], [0], [1], [0, 0, 1, 1], [], []>, transpose_lhs_hint = false} : vector<5000x128xf32>, vector<128x128xf32>, vector<5000x128xf32> -> vector<5000x128xf32>
    %add3A_27 = arith.addf %dot_general3A_21, %dot_general3A_26 : vector<5000x128xf32>
    %get3A_28 = arith.constant 0 : index
    %get3A_29 = arith.constant 0 : index
    %get3A_30 = vector.load %arg8[%get3A_28, %get3A_29] : memref<1x128xf32, #tpu.memory_space<vmem>>, vector<1x128xf32>
    %add3A_31 = vector.broadcast %get3A_30 : vector<1x128xf32> to vector<5000x128xf32>
    %add3A_32 = arith.addf %add3A_27, %add3A_31 : vector<5000x128xf32>
    %max3A_33 = arith.constant 0.000000e+00 : f32
    %max3A_34 = vector.broadcast %max3A_33 : f32 to vector<5000x128xf32>
    %max3A_35 = arith.maximumf %add3A_32, %max3A_34 : vector<5000x128xf32>
    %swap3A = arith.constant 0 : index
    %swap3A_36 = arith.constant 0 : index
    %swap3A_37 = vector.load %arg9[%swap3A, %swap3A_36] : memref<5000x128xf32, #tpu.memory_space<vmem>>, vector<5000x128xf32>
    tpu.vector_store %arg9[%swap3A, %swap3A_36], %max3A_35 {strides = array<i32>} : memref<5000x128xf32, #tpu.memory_space<vmem>>, vector<5000x128xf32>,
    return
  }
  func.func @transform_0(%arg0: i32) -> (i32, i32) {
    %c0_i32 = arith.constant 0 : i32
    %c0_i32_0 = arith.constant 0 : i32
    return %arg0, %c0_i32 : i32, i32
  }
  func.func @transform_1(%arg0: i32) -> (i32, i32) {
    %c0_i32 = arith.constant 0 : i32
    %c0_i32_0 = arith.constant 0 : i32
    return %arg0, %c0_i32 : i32, i32
  }
  func.func @transform_2(%arg0: i32) -> (i32, i32) {
    %c0_i32 = arith.constant 0 : i32
    %c0_i32_0 = arith.constant 0 : i32
    return %arg0, %c0_i32 : i32, i32
  }
  func.func @transform_3(%arg0: i32) -> (i32, i32) {
    %c0_i32 = arith.constant 0 : i32
    %c0_i32_0 = arith.constant 0 : i32
    return %arg0, %c0_i32 : i32, i32
  }
  func.func @transform_4(%arg0: i32) -> (i32, i32) {
    %c0_i32 = arith.constant 0 : i32
    %c0_i32_0 = arith.constant 0 : i32
    return %arg0, %c0_i32 : i32, i32
  }
  func.func @transform_5(%arg0: i32) -> (i32, i32) {
    %c0_i32 = arith.constant 0 : i32
    %c0_i32_0 = arith.constant 0 : i32
    %c0_i32_1 = arith.constant 0 : i32
    return %c0_i32, %c0_i32_0 : i32, i32
  }
  func.func @transform_6(%arg0: i32) -> (i32, i32) {
    %c0_i32 = arith.constant 0 : i32
    %c0_i32_0 = arith.constant 0 : i32
    %c0_i32_1 = arith.constant 0 : i32
    return %c0_i32, %c0_i32_0 : i32, i32
  }
  func.func @transform_7(%arg0: i32) -> (i32, i32) {
    %c0_i32 = arith.constant 0 : i32
    %c0_i32_0 = arith.constant 0 : i32
    %c0_i32_1 = arith.constant 0 : i32
    return %c0_i32, %c0_i32_0 : i32, i32
  }
  func.func @transform_8(%arg0: i32) -> (i32, i32) {
    %c0_i32 = arith.constant 0 : i32
    %c0_i32_0 = arith.constant 0 : i32
    return %arg0, %c0_i32 : i32, i32
  }
}

module attributes {stable_mosaic.version = 14 : i64} {
  func.func @body(%arg0: i32, %arg1: memref<5000x128xf32, #tpu.memory_space<vmem>>, %arg2: memref<5000x128xf32, #tpu.memory_space<vmem>>, %arg3: memref<5000x128xf32, #tpu.memory_space<vmem>>, %arg4: memref<5000x128xf32, #tpu.memory_space<vmem>>, %arg5: memref<5000x128xf32, #tpu.memory_space<vmem>>, %arg6: memref<128x128xf32, #tpu.memory_space<vmem>>, %arg7: memref<128x128xf32, #tpu.memory_space<vmem>>, %arg8: memref<1x128xf32, #tpu.memory_space<vmem>>, %arg9: memref<5000x128xf32, #tpu.memory_space<vmem>>) attributes {dimension_semantics = [#tpu.dimension_semantics<arbitrary>], iteration_bounds = array<i64: 2>, scalar_prefetch = 0 : i64, scratch_operands = 0 : i64, tpu.core_type = #tpu.core_type<tc>, window_params = [{transform_indices = @transform_0, window_bounds = array<i64: 5000, 128>}, {transform_indices = @transform_1, window_bounds = array<i64: 5000, 128>}, {transform_indices = @transform_2, window_bounds = array<i64: 5000, 128>}, {transform_indices = @transform_3, window_bounds = array<i64: 5000, 128>}, {transform_indices = @transform_4, window_bounds = array<i64: 5000, 128>}, {pipeline_mode = #tpu.pipeline_mode<synchronous>, transform_indices = @transform_5, window_bounds = array<i64: 128, 128>}, {pipeline_mode = #tpu.pipeline_mode<synchronous>, transform_indices = @transform_6, window_bounds = array<i64: 128, 128>}, {pipeline_mode = #tpu.pipeline_mode<synchronous>, transform_indices = @transform_7, window_bounds = array<i64: 1, 128>}, {transform_indices = @transform_8, window_bounds = array<i64: 5000, 128>}]} {
    %get3A = arith.constant 0 : index
    %get3A_0 = arith.constant 0 : index
    %get3A_1 = vector.load %arg4[%get3A, %get3A_0] : memref<5000x128xf32, #tpu.memory_space<vmem>>, vector<5000x1xf32>
    %get3A_2 = arith.constant 0 : index
    %get3A_3 = arith.constant 0 : index
    %get3A_4 = vector.load %arg5[%get3A_2, %get3A_3] : memref<5000x128xf32, #tpu.memory_space<vmem>>, vector<5000x1xf32>
    %add3A = arith.addf %get3A_1, %get3A_4 : vector<5000x1xf32>
    %max3A = arith.constant 1.000000e+00 : f32
    %max3A_5 = vector.broadcast %max3A : f32 to vector<5000x1xf32>
    %max3A_6 = arith.maximumf %add3A, %max3A_5 : vector<5000x1xf32>
    %get3A_7 = arith.constant 0 : index
    %get3A_8 = arith.constant 0 : index
    %get3A_9 = vector.load %arg2[%get3A_7, %get3A_8] : memref<5000x128xf32, #tpu.memory_space<vmem>>, vector<5000x128xf32>
    %get3A_10 = arith.constant 0 : index
    %get3A_11 = arith.constant 0 : index
    %get3A_12 = vector.load %arg3[%get3A_10, %get3A_11] : memref<5000x128xf32, #tpu.memory_space<vmem>>, vector<5000x128xf32>
    %add3A_13 = arith.addf %get3A_9, %get3A_12 : vector<5000x128xf32>
    %div3A = vector.broadcast %max3A_6 : vector<5000x1xf32> to vector<5000x128xf32>
    %div3A_14 = arith.divf %add3A_13, %div3A : vector<5000x128xf32>
    %get3A_15 = arith.constant 0 : index
    %get3A_16 = arith.constant 0 : index
    %get3A_17 = vector.load %arg1[%get3A_15, %get3A_16] : memref<5000x128xf32, #tpu.memory_space<vmem>>, vector<5000x128xf32>
    %get3A_18 = arith.constant 0 : index
    %get3A_19 = arith.constant 0 : index
    %get3A_20 = vector.load %arg6[%get3A_18, %get3A_19] : memref<128x128xf32, #tpu.memory_space<vmem>>, vector<128x128xf32>
    %dot_general3A = arith.constant dense<0.000000e+00> : vector<5000x128xf32>
    %dot_general3A_21 = tpu.matmul %get3A_17, %get3A_20, %dot_general3A {dimension_numbers = #tpu.dot_dimension_numbers<[1], [0], [0], [1], [0, 0, 1, 1], [], []>, transpose_lhs_hint = false} : vector<5000x128xf32>, vector<128x128xf32>, vector<5000x128xf32> -> vector<5000x128xf32>
    %get3A_22 = arith.constant 0 : index
    %get3A_23 = arith.constant 0 : index
    %get3A_24 = vector.load %arg7[%get3A_22, %get3A_23] : memref<128x128xf32, #tpu.memory_space<vmem>>, vector<128x128xf32>
    %dot_general3A_25 = arith.constant dense<0.000000e+00> : vector<5000x128xf32>
    %dot_general3A_26 = tpu.matmul %div3A_14, %get3A_24, %dot_general3A_25 {dimension_numbers = #tpu.dot_dimension_numbers<[1], [0], [0], [1], [0, 0, 1, 1], [], []>, transpose_lhs_hint = false} : vector<5000x128xf32>, vector<128x128xf32>, vector<5000x128xf32> -> vector<5000x128xf32>
    %add3A_27 = arith.addf %dot_general3A_21, %dot_general3A_26 : vector<5000x128xf32>
    %get3A_28 = arith.constant 0 : index
    %get3A_29 = arith.constant 0 : index
    %get3A_30 = vector.load %arg8[%get3A_28, %get3A_29] : memref<1x128xf32, #tpu.memory_space<vmem>>, vector<1x128xf32>
    %add3A_31 = vector.broadcast %get3A_30 : vector<1x128xf32> to vector<5000x128xf32>
    %add3A_32 = arith.addf %add3A_27, %add3A_31 : vector<5000x128xf32>
    %swap3A = arith.constant 0 : index
    %swap3A_33 = arith.constant 0 : index
    %swap3A_34 = vector.load %arg9[%swap3A, %swap3A_33] : memref<5000x128xf32, #tpu.memory_space<vmem>>, vector<5000x128xf32>
    tpu.vector_store %arg9[%swap3A, %swap3A_33], %add3A_32 {strides = array<i32>} : memref<5000x128xf32, #tpu.memory_space<vmem>>, vector<5000x128xf32>,
    return
  }
  func.func @transform_0(%arg0: i32) -> (i32, i32) {
    %c0_i32 = arith.constant 0 : i32
    %c0_i32_0 = arith.constant 0 : i32
    return %arg0, %c0_i32 : i32, i32
  }
  func.func @transform_1(%arg0: i32) -> (i32, i32) {
    %c0_i32 = arith.constant 0 : i32
    %c0_i32_0 = arith.constant 0 : i32
    return %arg0, %c0_i32 : i32, i32
  }
  func.func @transform_2(%arg0: i32) -> (i32, i32) {
    %c0_i32 = arith.constant 0 : i32
    %c0_i32_0 = arith.constant 0 : i32
    return %arg0, %c0_i32 : i32, i32
  }
  func.func @transform_3(%arg0: i32) -> (i32, i32) {
    %c0_i32 = arith.constant 0 : i32
    %c0_i32_0 = arith.constant 0 : i32
    return %arg0, %c0_i32 : i32, i32
  }
  func.func @transform_4(%arg0: i32) -> (i32, i32) {
    %c0_i32 = arith.constant 0 : i32
    %c0_i32_0 = arith.constant 0 : i32
    return %arg0, %c0_i32 : i32, i32
  }
  func.func @transform_5(%arg0: i32) -> (i32, i32) {
    %c0_i32 = arith.constant 0 : i32
    %c0_i32_0 = arith.constant 0 : i32
    %c0_i32_1 = arith.constant 0 : i32
    return %c0_i32, %c0_i32_0 : i32, i32
  }
  func.func @transform_6(%arg0: i32) -> (i32, i32) {
    %c0_i32 = arith.constant 0 : i32
    %c0_i32_0 = arith.constant 0 : i32
    %c0_i32_1 = arith.constant 0 : i32
    return %c0_i32, %c0_i32_0 : i32, i32
  }
  func.func @transform_7(%arg0: i32) -> (i32, i32) {
    %c0_i32 = arith.constant 0 : i32
    %c0_i32_0 = arith.constant 0 : i32
    %c0_i32_1 = arith.constant 0 : i32
    return %c0_i32, %c0_i32_0 : i32, i32
  }
  func.func @transform_8(%arg0: i32) -> (i32, i32) {
    %c0_i32 = arith.constant 0 : i32
    %c0_i32_0 = arith.constant 0 : i32
    return %arg0, %c0_i32 : i32, i32
  }
}

</mosaic_0001>

<sc_bundles>
// kernel: kernel.6.cloned.1.call-start
scs
__scs_entry_jumppad:
0x0: {  	(pc) =	sbr.rel $0x88, $3  }
0x1: {  	(tag) =	ssettag $0x0;
	lr =	simm.s32 $0x1  }
0x2: {  	[smem:$0x3F99] =	sst lr;
	_ =	strace $0xD0000000  }
0x3: {  	_ = 	snop  }
0x4: {  	_ = 	snop  }
0x5: {  	_ = 	snop  }
0x6: {  	_ = 	snop  }
0x7: {  	_ = 	snop  }
__scs_overlays_trampoline_lowered:
0x8: {  	[smem:$0x3FA8] =	sst s0  }
0x9: {  	[smem:$0x3FA9] =	sst s1  }
0xa: {  	[smem:$0x3FAA] =	sst s2  }
0xb: {  	[smem:$0x3FAB] =	sst s3  }
0xc: {  	[smem:$0x3FAC] =	sst s4  }
0xd: {  	[smem:$0x3FAD] =	sst s5  }
0xe: {  	[smem:$0x3FAE] =	sst s6  }
0xf: {  	[smem:$0x3FAF] =	sst s7  }
0x10: {  	[smem:$0x3FB0] =	sst s8  }
0x11: {  	[smem:$0x3FB1] =	sst s9;
	s0 =	simm.s32 @!p0 $0x0  }
0x12: {  	s1 =	sld [smem:$0x3F97];
	s0 =	simm.s32 @p0 $0x1  }
0x13: {  	[smem:$0x3FB2] =	sst s0;
	s0 =	simm.s32 @!p1 $0x0  }
0x14: {  	s2 =	sld [smem:$0x3F96];
	s0 =	simm.s32 @p1 $0x1  }
0x15: {  	[smem:$0x3FB3] =	sst s0;
	s0 =	simm.s32 @!p2 $0x0  }
0x16: {  	s3 =	sld [smem:$0x3FDB];
	s0 =	simm.s32 @p2 $0x1  }
0x17: {  	s4 =	simm.s32 $0x1BF5;
	[smem:$0x3FB5] =	sst s0  }
0x18: {  	s0 =	sld [smem:$0x3F98];
	_ =	swait.ge [sflag:s4], $0x0  }
0x19: {  	s7 =	sld [smem:$0x3F99]  }
0x1a: {  	s8 =	sadd.s32 $0xFFFFE003, lr  }
0x1b: {  	s9 =	sadd.s32 $0xFFFFFEF7, lr;
	s5 =	simm.s32 $0xFFFFFFFF;
	p2 =	slt.u32 s8, $0xFFFFF086  }
0x1c: {  	p1 =	slt.u32 s9, $0xF7A;
	s5 =	simm.s32 @!p2 $0x0  }
0x1d: {  	s5 =	simm.s32 @p1 $0x1;
	p0 =	seq.s32 s7, s2  }
0x1e: {  	s7 =	smul.u32 @!p0 $0xF7A, s2;
	p2 =	seq.s32 @!p0 s5, $0x0  }
0x1f: {  	s9 =	smul.u32 $0xF7A, s1;
	s8 =	simm.s32 @!p0 $0x1BF5;
	p2 =	por !p2, p0  }
0x20: {  	[sflag:s8] =	ssyncset.s32 @!p0 $0xFFFFF086;
	s6 =	sadd.s32 @!p0 s3, s7;
	s7 =	simm.s32 @!p0 $0x108  }
0x21: {  	s3 =	sadd.s32 s3, s9;
	s6 =	sadd.s32 @!p0 $0x88, s6;
	s7 =	simm.s32 @p2 $0x1082  }
0x22: {  	[simem:s7], [sflag:s8] =	dma.local @!p0 [hbm:s6], $0xF7A  }
0x23: {  	s9 =	sor.u32 $0xD0000000, s2;
	s6 =	simm.s32 $0x108;
	_ =	swait.ge @!p0 [sflag:s8], $0x0  }
0x24: {  	s3 =	sadd.s32 $0x88, s3;
	s6 =	simm.s32 @!p1 $0x1082;
	[sflag:s4] =	ssyncset.s32 $0xFFFFF086  }
0x25: {  	[simem:s6], [sflag:s4] =	dma.local [hbm:s3], $0xF7A  }
0x26: {  	[smem:$0x3F99] =	sst s1;
	(tag) =	ssettag s2;
	_ =	strace s9  }
0x27: {  	s1 =	sld [smem:$0x3FA9]  }
0x28: {  	s2 =	sld [smem:$0x3FAA]  }
0x29: {  	s4 =	sld [smem:$0x3FAC]  }
0x2a: {  	p0 =	seq.s32 s5, $0x0;
	s5 =	sld [smem:$0x3FAD]  }
0x2b: {  	s6 =	sld [smem:$0x3FAE]  }
0x2c: {  	s7 =	sld [smem:$0x3FAF]  }
0x2d: {  	s3 =	simm.s32 $0x108;
	s8 =	sld [smem:$0x3FB0]  }
0x2e: {  	s3 =	simm.s32 @!p0 $0x1082;
	s9 =	sld [smem:$0x3FB1]  }
0x2f: {  	lr =	sadd.s32 s0, s3;
	s0 =	sld [smem:$0x3FA8]  }
0x30: {  	s3 =	sld [smem:$0x3FAB]  }
0x31: {  	[smem:$0x3FB4] =	sst s10  }
0x32: {  	s10 =	sld [smem:$0x3FB2];
	_ =	sdelay $0x3  }
0x33: {  	p0 =	seq.s32 s10, $0x1;
	s10 =	sld [smem:$0x3FB4];
	_ =	sdelay $0x3  }
0x34: {  	[smem:$0x3FB4] =	sst s10  }
0x35: {  	s10 =	sld [smem:$0x3FB3];
	_ =	sdelay $0x3  }
0x36: {  	p1 =	seq.s32 s10, $0x1;
	s10 =	sld [smem:$0x3FB4];
	_ =	sdelay $0x3  }
0x37: {  	[smem:$0x3FB4] =	sst s10  }
0x38: {  	s10 =	sld [smem:$0x3FB5]  }
0x39: {  	_ = 	snop;
	(pc) =	sbr.ind lr, $3  }
0x3a: {  	_ = 	snop  }
0x3b: {  	_ = 	snop  }
0x3c: {  	p2 =	seq.s32 s10, $0x1;
	s10 =	sld [smem:$0x3FB4]  }
0x3d: {  	_ =	shalt  }
0x3e: {  	_ =	shalt  }
0x3f: {  	_ =	shalt  }
0x40: {  	_ =	shalt  }
0x41: {  	_ =	shalt  }
0x42: {  	_ =	shalt  }
0x43: {  	_ =	shalt  }
0x44: {  	_ =	shalt  }
0x45: {  	_ =	shalt  }
0x46: {  	_ =	shalt  }
0x47: {  	_ =	shalt  }
0x48: {  	_ =	shalt  }
0x49: {  	_ =	shalt  }
0x4a: {  	_ =	shalt  }
0x4b: {  	_ =	shalt  }
0x4c: {  	_ =	shalt  }
0x4d: {  	_ =	shalt  }
0x4e: {  	_ =	shalt  }
0x4f: {  	_ =	shalt  }
0x50: {  	_ =	shalt  }
0x51: {  	_ =	shalt  }
0x52: {  	_ =	shalt  }
0x53: {  	_ =	shalt  }
0x54: {  	_ =	shalt  }
0x55: {  	_ =	shalt  }
0x56: {  	_ =	shalt  }
0x57: {  	_ =	shalt  }
0x58: {  	_ =	shalt  }
0x59: {  	_ =	shalt  }
0x5a: {  	_ =	shalt  }
0x5b: {  	_ =	shalt  }
0x5c: {  	_ =	shalt  }
0x5d: {  	_ =	shalt  }
0x5e: {  	_ =	shalt  }
0x5f: {  	_ =	shalt  }
0x60: {  	_ =	shalt  }
0x61: {  	_ =	shalt  }
0x62: {  	_ =	shalt  }
0x63: {  	_ =	shalt  }
0x64: {  	_ =	shalt  }
0x65: {  	_ =	shalt  }
0x66: {  	_ =	shalt  }
0x67: {  	_ =	shalt  }
0x68: {  	_ =	shalt  }
0x69: {  	_ =	shalt  }
0x6a: {  	_ =	shalt  }
0x6b: {  	_ =	shalt  }
0x6c: {  	_ =	shalt  }
0x6d: {  	_ =	shalt  }
0x6e: {  	_ =	shalt  }
0x6f: {  	_ =	shalt  }
0x70: {  	_ =	shalt  }
0x71: {  	_ =	shalt  }
0x72: {  	_ =	shalt  }
0x73: {  	_ =	shalt  }
0x74: {  	_ =	shalt  }
0x75: {  	_ =	shalt  }
0x76: {  	_ =	shalt  }
0x77: {  	_ =	shalt  }
0x78: {  	_ =	shalt  }
0x79: {  	_ =	shalt  }
0x7a: {  	_ =	shalt  }
0x7b: {  	_ =	shalt  }
0x7c: {  	_ =	shalt  }
0x7d: {  	_ =	shalt  }
0x7e: {  	_ =	shalt  }
0x7f: {  	_ =	shalt  }
0x80: {  	_ =	shalt  }
0x81: {  	_ =	shalt  }
0x82: {  	_ =	shalt  }
0x83: {  	_ =	shalt  }
0x84: {  	_ =	shalt  }
0x85: {  	_ =	shalt  }
0x86: {  	_ =	shalt  }
0x87: {  	_ =	shalt  }
.Lfunc_end0:
.L_simem_size_0:
called_computation_lowered:
.L_overlay_start_0:
0x88: {  	s2 =	sld [smem:$0x3FD9]  }
0x89: {  	s3 =	sld [smem:$0x3FFE];
	_ =	sdelay $0x1  }
0x8a: {  	s1 =	srdreg.scid  }
0x8b: {  	s0 =	sand.u32 $0x1, s1  }
0x8c: {  	s17 =	sshll.u32 s0, $0xA;
	s2 =	sadd.s32 s3, s2  }
0x8d: {  	s2 =	sadd.s32 s2, s17  }
0x8e: {  	[smem:$0x3FC0] =	sst s2  }
0x8f: {  	_ = 	snop  }
0x90: {  	s2 =	sld [smem:$0x3FC9]  }
0x91: {  	s18 =	sld [smem:$0x3FD0];
	(tm) =	ssettm $0x1  }
0x92: {  	s4 =	sld [smem:$0x3FFB];
	_ =	sdelay $0x3  }
0x93: {  	_ =	strace s4  }
0x94: {  	s4 =	sld [smem:$0x3FFC];
	_ =	sdelay $0x3  }
0x95: {  	_ =	strace s4  }
0x96: {  	s4 =	sld [smem:$0x3FFD];
	_ =	sdelay $0x3  }
0x97: {  	_ =	strace s4  }
0x98: {  	_ =	strace $0x8FFFFFFF  }
0x99: {  	s19 =	sld [smem:$0x3FDB];
	_ =	sdelay $0x1  }
0x9a: {  	s5 =	simm.s32 $_scs_section_size  }
0x9b: {  	s6 =	simm.s32 $_size__tile_overlayer_lowered;
	s7 =	simm.s32 $_tile_overlayer_lowered  }
0x9c: {  	s22 =	simm.s32 $0x1BFF;
	s21 =	sshll.u32 s7, $0x1;
	s4 =	sadd.s32 s5, s19  }
0x9d: {  	s8 =	simm.s32 $0x0;
	s20 =	sshll.u32 s6, $0x1;
	s6 =	sadd.s32 s21, s4  }
0x9e: {  	[timem:s8], [sflag:s22] =	dma.local [hbm:s6], s20  }
0x9f: {  	_ =	swait.ge [sflag:s22], s20  }
0xa0: {  	s5 =	ssub.s32 $0x0, s20;
	[sflag:s22] =	ssyncset.done $0x0  }
0xa1: {  	[sflag:s22] =	ssyncadd.s32 s5;
	_ =	sdelay $0x1  }
0xa2: {  	s23 =	simm.s32 $0x1B8B  }
0xa3: {  	_ =	swait.ge [sflag:s23], $0x1  }
0xa4: {  	[sflag:s23] =	ssyncset.done $0x0  }
0xa5: {  	s25 =	simm.s32 $0x1B8E;
	s24 =	sld [smem:$0x3FFE];
	[sflag:s23] =	ssyncadd.s32 $0xFFFFFFFF  }
0xa6: {  	s26 =	simm.s32 $execute0_lowered;
	[smem:$0x3FD2] =	sst s25  }
0xa7: {  	s6 =	sshll.u32 s26, $0x1;
	_ =	strace $0x80000046;
	[dreg:$0x1] =	wrdreg $0xFFFFFFFF  }
0xa8: {  	s28 =	simm.s32 $_size_execute0_lowered;
	s4 =	sadd.s32 s4, s6;
	[dreg:$0x0] =	wrdreg $0x0  }
0xa9: {  	s6 =	sshll.u32 s28, $0x1;
	[dreg:$0x2] =	wrdreg s4  }
0xaa: {  	[dreg:$0x3] =	wrdreg s6  }
0xab: {  	[dreg:$0x4] =	wrdreg $0xC0  }
0xac: {  	_ =	task [dreg:s8], $0x5FFFF  }
0xad: {  	[dreg:$0x1] =	wrdreg $0xFFFFFFFF  }
0xae: {  	[dreg:$0x0] =	wrdreg $0x60  }
0xaf: {  	[dreg:$0x2] =	wrdreg s2  }
0xb0: {  	[dreg:$0x3] =	wrdreg s24  }
0xb1: {  	[dreg:$0x4] =	wrdreg s18  }
0xb2: {  	[dreg:$0x5] =	wrdreg $0x41000  }
0xb3: {  	[dreg:$0x6] =	wrdreg $0x9  }
0xb4: {  	_ =	task.clear_ibuf [dreg:s8], $0x7FFFF;
	_ =	strace $0x90000046  }
0xb5: {  	s29 =	simm.s32 $0x9;
	_ =	strace $0x80000048  }
0xb6: {  	_ =	swait.ge [sflag:s29], $0x1  }
0xb7: {  	[sflag:s29] =	ssyncadd.s32 $0xFFFFFFFF  }
0xb8: {  	_ =	strace $0x90000048  }
0xb9: {  	_ =	sfence  }
0xba: {  	s30 =	sld [smem:$0x0];
	_ =	sdelay $0x2  }
0xbb: {  	s31 =	sshll.u32 s1, $0xD;
	s1 =	sshrl.u32 s1, $0x2  }
0xbc: {  	s3 =	sand.u32 $0x4000, s31;
	s1 =	sadd.s32 s1, s30  }
0xbd: {  	s0 =	sor.u32 s3, s0;
	s1 =	sshll.u32 s1, $0x11  }
0xbe: {  	s0 =	sor.u32 s1, s0  }
0xbf: {  	s0 =	sadd.s32 $0x8F2B, s0  }
0xc0: {  	[sflag:s0] =	ssyncadd.remote.s32 $0x1  }
0xc1: {  	_ =	sfence.sel $0xFFFF  }
0xc2: {  	[dreg:$0x0] =	wrdreg $0xFFFFFFFF;
	(pc) =	sbr.abs _section_cstart, $3  }
0xc3: {  	[dreg:$0x1] =	wrdreg $0xFFFFFFFF  }
0xc4: {  	_ =	task.clear_ibuf [dreg:s8], $0x2FFFF;
	_ =	strace $0x9FFFFFFF  }
0xc5: {  	(tm) =	ssettm $0x7FFFFFFF  }
tec
execute0_lowered:
.L_overlay_start_1:
0x0: {  	(tag) =	ssettag $0x1  }
0x1: {  	s0 =	rddreg [dreg:$0x0]  }
0x2: {  	s7 =	rddreg [dreg:$0x1]  }
0x3: {  	s3 =	rddreg [dreg:$0x2]  }
0x4: {  	s4 =	rddreg [dreg:$0x3]  }
0x5: {  	s1 =	srdreg.scid;
	s2 =	rddreg [dreg:$0x4];
	s5 =	simm.s32 $0x0  }
0x6: {  	s13 =	simm.s32 $0x17D00;
	s14 =	simm.s32 $0x80;
	s8 =	sand.u32 $0x1, s1  }
0x7: {  	s16 =	simm.s32 $0x100;
	s1 =	stileid.u32;
	s9 =	smul.u32 $0x27800, s8  }
0x8: {  	s17 =	simm.s32 $0x1;
	[smem:$0x7FF] =	sst s5;
	s18 =	smul.u32 $0x2780, s1  }
0x9: {  	_ =	strace $0x80000047;
	s10 =	smul.u32 $0x4F000, s1;
	s8 =	ssub.s32 $0x2, s8  }
0xa: {  	s31 =	sshll.u32 s1, $0x6;
	s30 =	sshrl.u32 s8, $0x1;
	s6 =	sadd.s32 s18, s9  }
0xb: {  	s9 =	sadd.s32 s9, s7;
	s10 =	sshrl.u32 s10, $0x2;
	s8 =	ssub.s32 s8, s30  }
0xc: {  	s6 =	sshrl.u32 s6, $0x3;
	s12 =	sadd.s32 s10, s4;
	s15 =	sadd.s32 $0x67C00, s9  }
0xd: {  	s19 =	sadd.s32 $0x18C00, s9;
	s8 =	smax.u32 s8, $0x1;
	s11 =	sadd.s32 s6, s7  }
0xe: {  	s6 =	sadd.s32 $0x16400, s7;
	s7 =	sor.u32 $0x1C02, s31;
	s15 =	sadd.s32 s18, s15  }
0xf: {  	s18 =	sadd.s32 s18, s19;
	s19 =	simm.s32 $0x0;
	s9 =	sadd.s32 $0x2800, s11  }
0x10: {  	s10 =	sadd.s32 $0xC600, s11;
	s11 =	sshrl.u32 s12, $0x3;
	s12 =	simm.s32 $0x2  }
.LBB2_1:
0x11: {  	[spmem:s11], [sflag:s7] =	dma.local [hbm:s6], $0x2780  }
0x12: {  	_ =	swait.ge [sflag:s12], $0x2780  }
0x13: {  	[sflag:s12] =	ssyncset.done $0x0  }
0x14: {  	[sflag:s12] =	ssyncadd.s32 $0xFFFFD880  }
0x15: {  	[tilespmem:s13], [sflag:$0x2] =	stream.linear.gather [hbm4b:s3+s5], $0x4000, $0x38;
	[tilespmem:$0x1BD00] =	vst v63  }
0x16: {  	_ =	swait.ge [sflag:s12], $0x4000  }
0x17: {  	[sflag:s12] =	ssyncset.done $0x0  }
0x18: {  	[sflag:s12] =	ssyncadd.s32 $0xFFFFC000  }
0x19: {  	s20 =	sadd.s32 $0x0, s9;
	[bflag:$0x0] =	sbarrier.arrive $0xFFFF  }
0x1a: {  	[tilespmem:s14], [sflag:$0x2] =	stream.linear.gather [hbm4b:s20+s5], $0x80, $0x38;
	[tilespmem:$0x1BD00] =	vst v63  }
0x1b: {  	_ =	swait.ge [sflag:s12], $0x80  }
0x1c: {  	[sflag:s12] =	ssyncset.done $0x0  }
0x1d: {  	[sflag:s12] =	ssyncadd.s32 $0xFFFFFF80  }
0x1e: {  	[spmem:s4] =	stream.indirect.scatter.add.f32 [tilespmem:s13], [sflag:$0x2], $0x80, s14, s14, $0xb8;
	[tilespmem:$0x1BD00] =	vst v63  }
0x1f: {  	_ =	swait.ge [sflag:s12], $0x4000  }
0x20: {  	s21 =	simm.s32 $0x20;
	s20 =	simm.s32 $0x10;
	[sflag:s12] =	ssyncset.done $0x0  }
.LBB2_2:
0x21: {  	s22 =	sadd.s32 s20, s9  }
0x22: {  	[sflag:s12] =	ssyncadd.s32 $0xFFFFC000;
	s20 =	smov.u32 s21;
	s23 =	sadd.s32 $0x10, s21  }
0x23: {  	[tilespmem:s14], [sflag:$0x2] =	stream.linear.gather [hbm4b:s22+s5], $0x80, $0x38;
	[tilespmem:$0x1BD00] =	vst v63  }
0x24: {  	p0 =	sne.s32 s21, $0x4E0;
	_ =	swait.ge [sflag:s12], $0x80  }
.Ltmp0:
0x25: {  	[sflag:s12] =	ssyncset.done $0x0;
	(pc) =	sbr.rel @p0 .LBB2_2-.Ltmp0, $4  }
0x26: {  	[sflag:s12] =	ssyncadd.s32 $0xFFFFFF80  }
0x27: {  	[spmem:s4] =	stream.indirect.scatter.add.f32 [tilespmem:s13], [sflag:$0x2], $0x80, s14, s14, $0xb8;
	[tilespmem:$0x1BD00] =	vst v63  }
0x28: {  	_ =	swait.ge [sflag:s12], $0x4000  }
0x29: {  	s21 =	smov.u32 s23;
	[sflag:s12] =	ssyncset.done $0x0  }
0x2a: {  	s20 =	sadd.s32 s20, s9;
	[sflag:s12] =	ssyncadd.s32 $0xFFFFC000  }
0x2b: {  	[tilespmem:s14], [sflag:$0x2] =	stream.linear.gather [hbm4b:s20+s5], $0x80, $0x38;
	[tilespmem:$0x1BD00] =	vst v63  }
0x2c: {  	_ =	swait.ge [sflag:s12], $0x80  }
0x2d: {  	[sflag:s12] =	ssyncset.done $0x0  }
0x2e: {  	[sflag:s12] =	ssyncadd.s32 $0xFFFFFF80  }
0x2f: {  	[spmem:s4] =	stream.indirect.scatter.add.f32 [tilespmem:s13], [sflag:$0x2], $0x80, s14, s14, $0xb8;
	[tilespmem:$0x1BD00] =	vst v63  }
0x30: {  	_ =	swait.ge [sflag:s12], $0x4000  }
0x31: {  	[sflag:s12] =	ssyncset.done $0x0  }
0x32: {  	[sflag:s12] =	ssyncadd.s32 $0xFFFFC000  }
0x33: {  	[bflag:$0x0] =	sbarrier.arrive $0xFFFF  }
0x34: {  	[hbm:s15], [sflag:s7] =	dma.local [spmem:s11], $0x2780  }
0x35: {  	_ =	swait.ge [sflag:s12], $0x2780  }
0x36: {  	[sflag:s12] =	ssyncset.done $0x0  }
0x37: {  	[sflag:s12] =	ssyncadd.s32 $0xFFFFD880  }
0x38: {  	[bflag:$0x0] =	sbarrier.arrive $0xFFFF  }
0x39: {  	[spmem:s11], [sflag:s7] =	dma.local [hbm:s6], $0x2780  }
0x3a: {  	_ =	swait.ge [sflag:s12], $0x2780  }
0x3b: {  	[sflag:s12] =	ssyncset.done $0x0  }
0x3c: {  	[sflag:s12] =	ssyncadd.s32 $0xFFFFD880  }
0x3d: {  	s30 =	sadd.s32 $0x0, s10;
	[bflag:$0x0] =	sbarrier.arrive $0xFFFF  }
0x3e: {  	[tilespmem:s5], [sflag:$0x2] =	stream.linear.gather [hbm4b:s30+s5], $0x80, $0x38;
	[tilespmem:$0x1BD00] =	vst v63  }
0x3f: {  	_ =	swait.ge [sflag:s12], $0x80  }
0x40: {  	[sflag:s12] =	ssyncset.done $0x0  }
0x41: {  	s31 =	sadd.s32 $0x0, s9;
	[sflag:s12] =	ssyncadd.s32 $0xFFFFFF80  }
0x42: {  	[tilespmem:s14], [sflag:$0x2] =	stream.linear.gather [hbm4b:s31+s5], $0x80, $0x38;
	[tilespmem:$0x1BD00] =	vst v63  }
0x43: {  	_ =	swait.ge [sflag:s12], $0x80  }
0x44: {  	[sflag:s12] =	ssyncset.done $0x0  }
0x45: {  	[sflag:s12] =	ssyncadd.s32 $0xFFFFFF80  }
0x46: {  	[tilespmem:s16], [sflag:$0x1] =	stream.indirect.gather [hbm4b:s0+s14], $0x80, s5, s14, $0xb8;
	[tilespmem:$0x1BD00] =	vst v63  }
0x47: {  	_ =	swait.ge [sflag:s17], $0x4000  }
0x48: {  	[sflag:s17] =	ssyncset.done $0x0  }
0x49: {  	[sflag:s17] =	ssyncadd.s32 $0xFFFFC000  }
0x4a: {  	[spmem:s4] =	stream.indirect.scatter.add.f32 [tilespmem:s16], [sflag:$0x2], $0x80, s14, s14, $0xb8;
	[tilespmem:$0x1BD00] =	vst v63  }
0x4b: {  	_ =	swait.ge [sflag:s12], $0x4000  }
0x4c: {  	s21 =	simm.s32 $0x20;
	s20 =	simm.s32 $0x10;
	[sflag:s12] =	ssyncset.done $0x0  }
.LBB2_4:
0x4d: {  	s22 =	sadd.s32 s20, s10  }
0x4e: {  	[sflag:s12] =	ssyncadd.s32 $0xFFFFC000;
	s23 =	smov.u32 s21;
	s24 =	sadd.s32 $0x10, s21  }
0x4f: {  	[tilespmem:s5], [sflag:$0x2] =	stream.linear.gather [hbm4b:s22+s5], $0x80, $0x38;
	[tilespmem:$0x1BD00] =	vst v63  }
0x50: {  	p0 =	sne.s32 s21, $0x4E0;
	_ =	swait.ge [sflag:s12], $0x80  }
0x51: {  	[sflag:s12] =	ssyncset.done $0x0  }
0x52: {  	s21 =	sadd.s32 s20, s9;
	s20 =	smov.u32 s23;
	[sflag:s12] =	ssyncadd.s32 $0xFFFFFF80  }
0x53: {  	[tilespmem:s14], [sflag:$0x2] =	stream.linear.gather [hbm4b:s21+s5], $0x80, $0x38;
	[tilespmem:$0x1BD00] =	vst v63  }
0x54: {  	_ =	swait.ge [sflag:s12], $0x80  }
0x55: {  	[sflag:s12] =	ssyncset.done $0x0  }
0x56: {  	[sflag:s12] =	ssyncadd.s32 $0xFFFFFF80  }
0x57: {  	[tilespmem:s16], [sflag:$0x1] =	stream.indirect.gather [hbm4b:s0+s14], $0x80, s5, s14, $0xb8;
	[tilespmem:$0x1BD00] =	vst v63  }
0x58: {  	_ =	swait.ge [sflag:s17], $0x4000  }
.Ltmp1:
0x59: {  	[sflag:s17] =	ssyncset.done $0x0;
	(pc) =	sbr.rel @p0 .LBB2_4-.Ltmp1, $4  }
0x5a: {  	[sflag:s17] =	ssyncadd.s32 $0xFFFFC000  }
0x5b: {  	[spmem:s4] =	stream.indirect.scatter.add.f32 [tilespmem:s16], [sflag:$0x2], $0x80, s14, s14, $0xb8;
	[tilespmem:$0x1BD00] =	vst v63  }
0x5c: {  	_ =	swait.ge [sflag:s12], $0x4000  }
0x5d: {  	s21 =	smov.u32 s24;
	[sflag:s12] =	ssyncset.done $0x0  }
0x5e: {  	s21 =	sadd.s32 s20, s10;
	[sflag:s12] =	ssyncadd.s32 $0xFFFFC000  }
0x5f: {  	[tilespmem:s5], [sflag:$0x2] =	stream.linear.gather [hbm4b:s21+s5], $0x80, $0x38;
	[tilespmem:$0x1BD00] =	vst v63  }
0x60: {  	_ =	swait.ge [sflag:s12], $0x80  }
0x61: {  	[sflag:s12] =	ssyncset.done $0x0  }
0x62: {  	s31 =	sadd.s32 s20, s9;
	[sflag:s12] =	ssyncadd.s32 $0xFFFFFF80  }
0x63: {  	[tilespmem:s14], [sflag:$0x2] =	stream.linear.gather [hbm4b:s31+s5], $0x80, $0x38;
	[tilespmem:$0x1BD00] =	vst v63  }
0x64: {  	_ =	swait.ge [sflag:s12], $0x80  }
0x65: {  	[sflag:s12] =	ssyncset.done $0x0  }
0x66: {  	[sflag:s12] =	ssyncadd.s32 $0xFFFFFF80  }
0x67: {  	[tilespmem:s16], [sflag:$0x1] =	stream.indirect.gather [hbm4b:s0+s14], $0x80, s5, s14, $0xb8;
	[tilespmem:$0x1BD00] =	vst v63  }
0x68: {  	_ =	swait.ge [sflag:s17], $0x4000  }
0x69: {  	[sflag:s17] =	ssyncset.done $0x0  }
0x6a: {  	[sflag:s17] =	ssyncadd.s32 $0xFFFFC000  }
0x6b: {  	[spmem:s4] =	stream.indirect.scatter.add.f32 [tilespmem:s16], [sflag:$0x2], $0x80, s14, s14, $0xb8;
	[tilespmem:$0x1BD00] =	vst v63  }
0x6c: {  	_ =	swait.ge [sflag:s12], $0x4000  }
0x6d: {  	s19 =	sadd.s32 $0x1, s19;
	[sflag:s12] =	ssyncset.done $0x0  }
0x6e: {  	p0 =	sne.s32 s19, s8;
	[sflag:s12] =	ssyncadd.s32 $0xFFFFC000  }
.Ltmp2:
0x6f: {  	[bflag:$0x0] =	sbarrier.arrive $0xFFFF;
	(pc) =	sbr.rel @p0 .LBB2_1-.Ltmp2, $4  }
0x70: {  	[hbm:s18], [sflag:s7] =	dma.local [spmem:s11], $0x2780  }
0x71: {  	_ =	swait.ge [sflag:s12], $0x2780  }
0x72: {  	[sflag:s12] =	ssyncset.done $0x0  }
0x73: {  	[sflag:s12] =	ssyncadd.s32 $0xFFFFD880  }
0x74: {  	_ =	sfence.sel $0x180000  }
0x75: {  	[bflag:$0x0] =	sbarrier.arrive $0xFFFF  }
0x76: {  	p0 =	sne.s32 s1, $0x0;
	_ =	strace $0x90000047  }
0x77: {  	s0 =	sadd.s32 @!p0 $0x100000, s2;
	[bflag:$0x2] =	sbarrier.arrive $0xFFFF  }
0x78: {  	[sflag:s0] =	ssyncadd.tile.s32 @!p0 $0x1;
	_ =	shalt  }
.Lfunc_end2:
_tile_overlayer_lowered:
.L_overlay_start_2:
0x79: {  	(tag) =	ssettag $0x2  }
0x7a: {  	s0 =	rddreg [dreg:$0x0];
	s2 =	stileid.u32  }
0x7b: {  	s1 =	rddreg [dreg:$0x1];
	p0 =	sne.s32 s2, $0x0  }
0x7c: {  	s3 =	rddreg [dreg:$0x2];
	[bflag:$0x3] =	sbarrier.arrive $0xFFFF;
	s2 =	simm.s32 @!p0 $0x1C02  }
0x7d: {  	[timem:s3], [sflag:s2] =	dma.local @!p0 [hbm:s0], s1  }
0x7e: {  	s0 =	simm.s32 @!p0 $0x2  }
0x7f: {  	_ =	swait.ge @!p0 [sflag:s0], s1  }
0x80: {  	s1 =	ssub.s32 @!p0 $0x0, s1;
	[sflag:s0] =	ssyncset.done @!p0 $0x0  }
0x81: {  	[sflag:s0] =	ssyncadd.s32 @!p0 s1  }
0x82: {  	[bflag:$0x3] =	sbarrier.arrive $0xFFFF  }
0x83: {  	_ =	shalt  }

// kernel: kernel.9.cloned.1.call-start
scs
__scs_entry_jumppad:
0x0: {  	(pc) =	sbr.rel $0x88, $3  }
0x1: {  	(tag) =	ssettag $0x0;
	lr =	simm.s32 $0x1  }
0x2: {  	[smem:$0x3F99] =	sst lr;
	_ =	strace $0xD0000000  }
0x3: {  	_ = 	snop  }
0x4: {  	_ = 	snop  }
0x5: {  	_ = 	snop  }
0x6: {  	_ = 	snop  }
0x7: {  	_ = 	snop  }
__scs_overlays_trampoline_lowered:
0x8: {  	[smem:$0x3FA8] =	sst s0  }
0x9: {  	[smem:$0x3FA9] =	sst s1  }
0xa: {  	[smem:$0x3FAA] =	sst s2  }
0xb: {  	[smem:$0x3FAB] =	sst s3  }
0xc: {  	[smem:$0x3FAC] =	sst s4  }
0xd: {  	[smem:$0x3FAD] =	sst s5  }
0xe: {  	[smem:$0x3FAE] =	sst s6  }
0xf: {  	[smem:$0x3FAF] =	sst s7  }
0x10: {  	[smem:$0x3FB0] =	sst s8  }
0x11: {  	[smem:$0x3FB1] =	sst s9;
	s0 =	simm.s32 @!p0 $0x0  }
0x12: {  	s1 =	sld [smem:$0x3F97];
	s0 =	simm.s32 @p0 $0x1  }
0x13: {  	[smem:$0x3FB2] =	sst s0;
	s0 =	simm.s32 @!p1 $0x0  }
0x14: {  	s2 =	sld [smem:$0x3F96];
	s0 =	simm.s32 @p1 $0x1  }
0x15: {  	[smem:$0x3FB3] =	sst s0;
	s0 =	simm.s32 @!p2 $0x0  }
0x16: {  	s3 =	sld [smem:$0x3FDB];
	s0 =	simm.s32 @p2 $0x1  }
0x17: {  	s4 =	simm.s32 $0x1BF5;
	[smem:$0x3FB5] =	sst s0  }
0x18: {  	s0 =	sld [smem:$0x3F98];
	_ =	swait.ge [sflag:s4], $0x0  }
0x19: {  	s7 =	sld [smem:$0x3F99]  }
0x1a: {  	s8 =	sadd.s32 $0xFFFFE003, lr  }
0x1b: {  	s9 =	sadd.s32 $0xFFFFFEF7, lr;
	s5 =	simm.s32 $0xFFFFFFFF;
	p2 =	slt.u32 s8, $0xFFFFF086  }
0x1c: {  	p1 =	slt.u32 s9, $0xF7A;
	s5 =	simm.s32 @!p2 $0x0  }
0x1d: {  	s5 =	simm.s32 @p1 $0x1;
	p0 =	seq.s32 s7, s2  }
0x1e: {  	s7 =	smul.u32 @!p0 $0xF7A, s2;
	p2 =	seq.s32 @!p0 s5, $0x0  }
0x1f: {  	s9 =	smul.u32 $0xF7A, s1;
	s8 =	simm.s32 @!p0 $0x1BF5;
	p2 =	por !p2, p0  }
0x20: {  	[sflag:s8] =	ssyncset.s32 @!p0 $0xFFFFF086;
	s6 =	sadd.s32 @!p0 s3, s7;
	s7 =	simm.s32 @!p0 $0x108  }
0x21: {  	s3 =	sadd.s32 s3, s9;
	s6 =	sadd.s32 @!p0 $0x88, s6;
	s7 =	simm.s32 @p2 $0x1082  }
0x22: {  	[simem:s7], [sflag:s8] =	dma.local @!p0 [hbm:s6], $0xF7A  }
0x23: {  	s9 =	sor.u32 $0xD0000000, s2;
	s6 =	simm.s32 $0x108;
	_ =	swait.ge @!p0 [sflag:s8], $0x0  }
0x24: {  	s3 =	sadd.s32 $0x88, s3;
	s6 =	simm.s32 @!p1 $0x1082;
	[sflag:s4] =	ssyncset.s32 $0xFFFFF086  }
0x25: {  	[simem:s6], [sflag:s4] =	dma.local [hbm:s3], $0xF7A  }
0x26: {  	[smem:$0x3F99] =	sst s1;
	(tag) =	ssettag s2;
	_ =	strace s9  }
0x27: {  	s1 =	sld [smem:$0x3FA9]  }
0x28: {  	s2 =	sld [smem:$0x3FAA]  }
0x29: {  	s4 =	sld [smem:$0x3FAC]  }
0x2a: {  	p0 =	seq.s32 s5, $0x0;
	s5 =	sld [smem:$0x3FAD]  }
0x2b: {  	s6 =	sld [smem:$0x3FAE]  }
0x2c: {  	s7 =	sld [smem:$0x3FAF]  }
0x2d: {  	s3 =	simm.s32 $0x108;
	s8 =	sld [smem:$0x3FB0]  }
0x2e: {  	s3 =	simm.s32 @!p0 $0x1082;
	s9 =	sld [smem:$0x3FB1]  }
0x2f: {  	lr =	sadd.s32 s0, s3;
	s0 =	sld [smem:$0x3FA8]  }
0x30: {  	s3 =	sld [smem:$0x3FAB]  }
0x31: {  	[smem:$0x3FB4] =	sst s10  }
0x32: {  	s10 =	sld [smem:$0x3FB2];
	_ =	sdelay $0x3  }
0x33: {  	p0 =	seq.s32 s10, $0x1;
	s10 =	sld [smem:$0x3FB4];
	_ =	sdelay $0x3  }
0x34: {  	[smem:$0x3FB4] =	sst s10  }
0x35: {  	s10 =	sld [smem:$0x3FB3];
	_ =	sdelay $0x3  }
0x36: {  	p1 =	seq.s32 s10, $0x1;
	s10 =	sld [smem:$0x3FB4];
	_ =	sdelay $0x3  }
0x37: {  	[smem:$0x3FB4] =	sst s10  }
0x38: {  	s10 =	sld [smem:$0x3FB5]  }
0x39: {  	_ = 	snop;
	(pc) =	sbr.ind lr, $3  }
0x3a: {  	_ = 	snop  }
0x3b: {  	_ = 	snop  }
0x3c: {  	p2 =	seq.s32 s10, $0x1;
	s10 =	sld [smem:$0x3FB4]  }
0x3d: {  	_ =	shalt  }
0x3e: {  	_ =	shalt  }
0x3f: {  	_ =	shalt  }
0x40: {  	_ =	shalt  }
0x41: {  	_ =	shalt  }
0x42: {  	_ =	shalt  }
0x43: {  	_ =	shalt  }
0x44: {  	_ =	shalt  }
0x45: {  	_ =	shalt  }
0x46: {  	_ =	shalt  }
0x47: {  	_ =	shalt  }
0x48: {  	_ =	shalt  }
0x49: {  	_ =	shalt  }
0x4a: {  	_ =	shalt  }
0x4b: {  	_ =	shalt  }
0x4c: {  	_ =	shalt  }
0x4d: {  	_ =	shalt  }
0x4e: {  	_ =	shalt  }
0x4f: {  	_ =	shalt  }
0x50: {  	_ =	shalt  }
0x51: {  	_ =	shalt  }
0x52: {  	_ =	shalt  }
0x53: {  	_ =	shalt  }
0x54: {  	_ =	shalt  }
0x55: {  	_ =	shalt  }
0x56: {  	_ =	shalt  }
0x57: {  	_ =	shalt  }
0x58: {  	_ =	shalt  }
0x59: {  	_ =	shalt  }
0x5a: {  	_ =	shalt  }
0x5b: {  	_ =	shalt  }
0x5c: {  	_ =	shalt  }
0x5d: {  	_ =	shalt  }
0x5e: {  	_ =	shalt  }
0x5f: {  	_ =	shalt  }
0x60: {  	_ =	shalt  }
0x61: {  	_ =	shalt  }
0x62: {  	_ =	shalt  }
0x63: {  	_ =	shalt  }
0x64: {  	_ =	shalt  }
0x65: {  	_ =	shalt  }
0x66: {  	_ =	shalt  }
0x67: {  	_ =	shalt  }
0x68: {  	_ =	shalt  }
0x69: {  	_ =	shalt  }
0x6a: {  	_ =	shalt  }
0x6b: {  	_ =	shalt  }
0x6c: {  	_ =	shalt  }
0x6d: {  	_ =	shalt  }
0x6e: {  	_ =	shalt  }
0x6f: {  	_ =	shalt  }
0x70: {  	_ =	shalt  }
0x71: {  	_ =	shalt  }
0x72: {  	_ =	shalt  }
0x73: {  	_ =	shalt  }
0x74: {  	_ =	shalt  }
0x75: {  	_ =	shalt  }
0x76: {  	_ =	shalt  }
0x77: {  	_ =	shalt  }
0x78: {  	_ =	shalt  }
0x79: {  	_ =	shalt  }
0x7a: {  	_ =	shalt  }
0x7b: {  	_ =	shalt  }
0x7c: {  	_ =	shalt  }
0x7d: {  	_ =	shalt  }
0x7e: {  	_ =	shalt  }
0x7f: {  	_ =	shalt  }
0x80: {  	_ =	shalt  }
0x81: {  	_ =	shalt  }
0x82: {  	_ =	shalt  }
0x83: {  	_ =	shalt  }
0x84: {  	_ =	shalt  }
0x85: {  	_ =	shalt  }
0x86: {  	_ =	shalt  }
0x87: {  	_ =	shalt  }
.Lfunc_end0:
.L_simem_size_0:
called_computation.1_lowered:
.L_overlay_start_0:
0x88: {  	s2 =	sld [smem:$0x3FD9]  }
0x89: {  	s3 =	sld [smem:$0x3FFE];
	_ =	sdelay $0x1  }
0x8a: {  	s1 =	srdreg.scid  }
0x8b: {  	s0 =	sand.u32 $0x1, s1  }
0x8c: {  	s16 =	sshll.u32 s0, $0xA;
	s2 =	sadd.s32 s3, s2  }
0x8d: {  	s2 =	sadd.s32 s2, s16  }
0x8e: {  	[smem:$0x3FC0] =	sst s2  }
0x8f: {  	_ = 	snop  }
0x90: {  	(tm) =	ssettm $0x1  }
0x91: {  	s17 =	sld [smem:$0x3FFB];
	_ =	sdelay $0x3  }
0x92: {  	_ =	strace s17  }
0x93: {  	s2 =	sld [smem:$0x3FFC];
	_ =	sdelay $0x3  }
0x94: {  	_ =	strace s2  }
0x95: {  	s2 =	sld [smem:$0x3FFD];
	_ =	sdelay $0x3  }
0x96: {  	_ =	strace s2  }
0x97: {  	_ =	strace $0x8FFFFFFF  }
0x98: {  	s18 =	sld [smem:$0x3FDB];
	_ =	sdelay $0x1  }
0x99: {  	s19 =	simm.s32 $_scs_section_size  }
0x9a: {  	s4 =	simm.s32 $_size__tile_overlayer_lowered;
	s5 =	simm.s32 $_tile_overlayer_lowered  }
0x9b: {  	s22 =	simm.s32 $0x1BFF;
	s21 =	sshll.u32 s5, $0x1;
	s2 =	sadd.s32 s19, s18  }
0x9c: {  	s6 =	simm.s32 $0x0;
	s20 =	sshll.u32 s4, $0x1;
	s4 =	sadd.s32 s21, s2  }
0x9d: {  	[timem:s6], [sflag:s22] =	dma.local [hbm:s4], s20  }
0x9e: {  	_ =	swait.ge [sflag:s22], s20  }
0x9f: {  	s3 =	ssub.s32 $0x0, s20;
	[sflag:s22] =	ssyncset.done $0x0  }
0xa0: {  	[sflag:s22] =	ssyncadd.s32 s3;
	_ =	sdelay $0x1  }
0xa1: {  	s23 =	simm.s32 $0x1B8B  }
0xa2: {  	_ =	swait.ge [sflag:s23], $0x1  }
0xa3: {  	[sflag:s23] =	ssyncset.done $0x0  }
0xa4: {  	s25 =	simm.s32 $0x1B8E;
	s24 =	sld [smem:$0x3FFE];
	[sflag:s23] =	ssyncadd.s32 $0xFFFFFFFF  }
0xa5: {  	s26 =	simm.s32 $execute0_lowered;
	[smem:$0x3FD2] =	sst s25  }
0xa6: {  	s4 =	sshll.u32 s26, $0x1;
	_ =	strace $0x80000049;
	[dreg:$0x1] =	wrdreg $0xFFFFFFFF  }
0xa7: {  	s28 =	simm.s32 $_size_execute0_lowered;
	s2 =	sadd.s32 s2, s4;
	[dreg:$0x0] =	wrdreg $0x0  }
0xa8: {  	s4 =	sshll.u32 s28, $0x1;
	[dreg:$0x2] =	wrdreg s2  }
0xa9: {  	[dreg:$0x3] =	wrdreg s4  }
0xaa: {  	[dreg:$0x4] =	wrdreg $0xC0  }
0xab: {  	_ =	task [dreg:s6], $0x5FFFF  }
0xac: {  	[dreg:$0x1] =	wrdreg $0xFFFFFFFF  }
0xad: {  	[dreg:$0x0] =	wrdreg $0x60  }
0xae: {  	[dreg:$0x2] =	wrdreg s24  }
0xaf: {  	[dreg:$0x3] =	wrdreg $0x41000  }
0xb0: {  	[dreg:$0x4] =	wrdreg $0x9  }
0xb1: {  	_ =	task.clear_ibuf [dreg:s6], $0x5FFFF;
	_ =	strace $0x90000049  }
0xb2: {  	s29 =	simm.s32 $0x9;
	_ =	strace $0x8000004B  }
0xb3: {  	_ =	swait.ge [sflag:s29], $0x1  }
0xb4: {  	[sflag:s29] =	ssyncadd.s32 $0xFFFFFFFF  }
0xb5: {  	_ =	strace $0x9000004B  }
0xb6: {  	_ =	sfence  }
0xb7: {  	s30 =	sld [smem:$0x0];
	_ =	sdelay $0x2  }
0xb8: {  	s31 =	sshll.u32 s1, $0xD;
	s1 =	sshrl.u32 s1, $0x2  }
0xb9: {  	s3 =	sand.u32 $0x4000, s31;
	s1 =	sadd.s32 s1, s30  }
0xba: {  	s0 =	sor.u32 s3, s0;
	s1 =	sshll.u32 s1, $0x11  }
0xbb: {  	s0 =	sor.u32 s1, s0  }
0xbc: {  	s0 =	sadd.s32 $0x8F2B, s0  }
0xbd: {  	[sflag:s0] =	ssyncadd.remote.s32 $0x1  }
0xbe: {  	_ =	sfence.sel $0xFFFF  }
0xbf: {  	[dreg:$0x0] =	wrdreg $0xFFFFFFFF;
	(pc) =	sbr.abs _section_cstart, $3  }
0xc0: {  	[dreg:$0x1] =	wrdreg $0xFFFFFFFF  }
0xc1: {  	_ =	task.clear_ibuf [dreg:s6], $0x2FFFF;
	_ =	strace $0x9FFFFFFF  }
0xc2: {  	(tm) =	ssettm $0x7FFFFFFF  }
0xc3: {  	_ =	shalt  }
tec
execute0_lowered:
.L_overlay_start_1:
0x0: {  	(tag) =	ssettag $0x1  }
0x1: {  	s6 =	rddreg [dreg:$0x0]  }
0x2: {  	s1 =	rddreg [dreg:$0x1]  }
0x3: {  	s0 =	rddreg [dreg:$0x2];
	s3 =	srdreg.scid  }
0x4: {  	s2 =	simm.s32 $0x0;
	s13 =	simm.s32 $0x100;
	s5 =	sand.u32 $0x1, s3  }
0x5: {  	s14 =	simm.s32 $0x1;
	[smem:$0x7FF] =	sst s2;
	s7 =	smul.u32 $0x4F00, s5  }
0x6: {  	s4 =	sadd.s32 $0x18C00, s6;
	s3 =	stileid.u32;
	s8 =	smul.u32 $0x27800, s5  }
0x7: {  	_ =	strace $0x8000004A;
	s9 =	ssub.s32 $0x2, s5;
	s11 =	smul.u32 $0x4F000, s3  }
0x8: {  	s5 =	sadd.s32 $0x16400, s6;
	s29 =	sshll.u32 s3, $0x6;
	s30 =	smul.u32 $0x4F0, s3  }
0x9: {  	s16 =	smul.u32 $0x2780, s3;
	s26 =	sshrl.u32 s9, $0x1;
	s10 =	sadd.s32 s7, s6  }
0xa: {  	s8 =	sadd.s32 s8, s6;
	s7 =	ssub.s32 s9, s26;
	s28 =	sshrl.u32 s11, $0x2  }
0xb: {  	s6 =	sor.u32 $0x1C02, s29;
	s11 =	simm.s32 $0x2;
	s12 =	sadd.s32 s28, s1  }
0xc: {  	s15 =	sadd.s32 $0x3FE00, s8;
	s7 =	smax.u32 s7, $0x1;
	s31 =	sadd.s32 s30, s10  }
0xd: {  	s8 =	sadd.s32 $0x2800, s31;
	s9 =	sadd.s32 $0xC600, s31;
	s10 =	sshrl.u32 s12, $0x3  }
0xe: {  	s12 =	simm.s32 $0x80;
	s15 =	sadd.s32 s16, s15;
	s16 =	simm.s32 $0x0  }
.LBB2_1:
0xf: {  	[spmem:s10], [sflag:s6] =	dma.local [hbm:s5], $0x2780  }
0x10: {  	_ =	swait.ge [sflag:s11], $0x2780  }
0x11: {  	[sflag:s11] =	ssyncset.done $0x0  }
0x12: {  	[sflag:s11] =	ssyncadd.s32 $0xFFFFD880  }
0x13: {  	s17 =	sadd.s32 $0x0, s9;
	[bflag:$0x0] =	sbarrier.arrive $0xFFFF  }
0x14: {  	[tilespmem:s2], [sflag:$0x2] =	stream.linear.gather [hbm4b:s17+s2], $0x80, $0x38;
	[tilespmem:$0x17D00] =	vst v63  }
0x15: {  	_ =	swait.ge [sflag:s11], $0x80  }
0x16: {  	[sflag:s11] =	ssyncset.done $0x0  }
0x17: {  	s31 =	sadd.s32 $0x0, s8;
	[sflag:s11] =	ssyncadd.s32 $0xFFFFFF80  }
0x18: {  	[tilespmem:s12], [sflag:$0x2] =	stream.linear.gather [hbm4b:s31+s2], $0x80, $0x38;
	[tilespmem:$0x17D00] =	vst v63  }
0x19: {  	_ =	swait.ge [sflag:s11], $0x80  }
0x1a: {  	[sflag:s11] =	ssyncset.done $0x0  }
0x1b: {  	[sflag:s11] =	ssyncadd.s32 $0xFFFFFF80  }
0x1c: {  	[tilespmem:s13], [sflag:$0x1] =	stream.indirect.gather [hbm4b:s4+s12], $0x80, s2, s12, $0xb8;
	[tilespmem:$0x17D00] =	vst v63  }
0x1d: {  	_ =	swait.ge [sflag:s14], $0x4000  }
0x1e: {  	[sflag:s14] =	ssyncset.done $0x0  }
0x1f: {  	[sflag:s14] =	ssyncadd.s32 $0xFFFFC000  }
0x20: {  	[spmem:s1] =	stream.indirect.scatter.add.f32 [tilespmem:s13], [sflag:$0x2], $0x80, s12, s12, $0xb8;
	[tilespmem:$0x17D00] =	vst v63  }
0x21: {  	_ =	swait.ge [sflag:s11], $0x4000  }
0x22: {  	s18 =	simm.s32 $0x20;
	s17 =	simm.s32 $0x10;
	[sflag:s11] =	ssyncset.done $0x0  }
.LBB2_2:
0x23: {  	s19 =	sadd.s32 s17, s9  }
0x24: {  	[sflag:s11] =	ssyncadd.s32 $0xFFFFC000;
	s20 =	smov.u32 s18;
	s21 =	sadd.s32 $0x10, s18  }
0x25: {  	[tilespmem:s2], [sflag:$0x2] =	stream.linear.gather [hbm4b:s19+s2], $0x80, $0x38;
	[tilespmem:$0x17D00] =	vst v63  }
0x26: {  	p0 =	sne.s32 s18, $0x4E0;
	_ =	swait.ge [sflag:s11], $0x80  }
0x27: {  	[sflag:s11] =	ssyncset.done $0x0  }
0x28: {  	s18 =	sadd.s32 s17, s8;
	s17 =	smov.u32 s20;
	[sflag:s11] =	ssyncadd.s32 $0xFFFFFF80  }
0x29: {  	[tilespmem:s12], [sflag:$0x2] =	stream.linear.gather [hbm4b:s18+s2], $0x80, $0x38;
	[tilespmem:$0x17D00] =	vst v63  }
0x2a: {  	_ =	swait.ge [sflag:s11], $0x80  }
0x2b: {  	[sflag:s11] =	ssyncset.done $0x0  }
0x2c: {  	[sflag:s11] =	ssyncadd.s32 $0xFFFFFF80  }
0x2d: {  	[tilespmem:s13], [sflag:$0x1] =	stream.indirect.gather [hbm4b:s4+s12], $0x80, s2, s12, $0xb8;
	[tilespmem:$0x17D00] =	vst v63  }
0x2e: {  	_ =	swait.ge [sflag:s14], $0x4000  }
.Ltmp0:
0x2f: {  	[sflag:s14] =	ssyncset.done $0x0;
	(pc) =	sbr.rel @p0 .LBB2_2-.Ltmp0, $4  }
0x30: {  	[sflag:s14] =	ssyncadd.s32 $0xFFFFC000  }
0x31: {  	[spmem:s1] =	stream.indirect.scatter.add.f32 [tilespmem:s13], [sflag:$0x2], $0x80, s12, s12, $0xb8;
	[tilespmem:$0x17D00] =	vst v63  }
0x32: {  	_ =	swait.ge [sflag:s11], $0x4000  }
0x33: {  	s18 =	smov.u32 s21;
	[sflag:s11] =	ssyncset.done $0x0  }
0x34: {  	s18 =	sadd.s32 s17, s9;
	[sflag:s11] =	ssyncadd.s32 $0xFFFFC000  }
0x35: {  	[tilespmem:s2], [sflag:$0x2] =	stream.linear.gather [hbm4b:s18+s2], $0x80, $0x38;
	[tilespmem:$0x17D00] =	vst v63  }
0x36: {  	_ =	swait.ge [sflag:s11], $0x80  }
0x37: {  	[sflag:s11] =	ssyncset.done $0x0  }
0x38: {  	s31 =	sadd.s32 s17, s8;
	[sflag:s11] =	ssyncadd.s32 $0xFFFFFF80  }
0x39: {  	[tilespmem:s12], [sflag:$0x2] =	stream.linear.gather [hbm4b:s31+s2], $0x80, $0x38;
	[tilespmem:$0x17D00] =	vst v63  }
0x3a: {  	_ =	swait.ge [sflag:s11], $0x80  }
0x3b: {  	[sflag:s11] =	ssyncset.done $0x0  }
0x3c: {  	[sflag:s11] =	ssyncadd.s32 $0xFFFFFF80  }
0x3d: {  	[tilespmem:s13], [sflag:$0x1] =	stream.indirect.gather [hbm4b:s4+s12], $0x80, s2, s12, $0xb8;
	[tilespmem:$0x17D00] =	vst v63  }
0x3e: {  	_ =	swait.ge [sflag:s14], $0x4000  }
0x3f: {  	[sflag:s14] =	ssyncset.done $0x0  }
0x40: {  	[sflag:s14] =	ssyncadd.s32 $0xFFFFC000  }
0x41: {  	[spmem:s1] =	stream.indirect.scatter.add.f32 [tilespmem:s13], [sflag:$0x2], $0x80, s12, s12, $0xb8;
	[tilespmem:$0x17D00] =	vst v63  }
0x42: {  	_ =	swait.ge [sflag:s11], $0x4000  }
0x43: {  	s16 =	sadd.s32 $0x1, s16;
	[sflag:s11] =	ssyncset.done $0x0  }
0x44: {  	p0 =	sne.s32 s16, s7;
	[sflag:s11] =	ssyncadd.s32 $0xFFFFC000  }
.Ltmp1:
0x45: {  	[bflag:$0x0] =	sbarrier.arrive $0xFFFF;
	(pc) =	sbr.rel @p0 .LBB2_1-.Ltmp1, $4  }
0x46: {  	[hbm:s15], [sflag:s6] =	dma.local [spmem:s10], $0x2780  }
0x47: {  	_ =	swait.ge [sflag:s11], $0x2780  }
0x48: {  	[sflag:s11] =	ssyncset.done $0x0  }
0x49: {  	[sflag:s11] =	ssyncadd.s32 $0xFFFFD880  }
0x4a: {  	_ =	sfence.sel $0x180000  }
0x4b: {  	[bflag:$0x0] =	sbarrier.arrive $0xFFFF  }
0x4c: {  	p0 =	sne.s32 s3, $0x0;
	_ =	strace $0x9000004A  }
0x4d: {  	s0 =	sadd.s32 @!p0 $0x100000, s0;
	[bflag:$0x2] =	sbarrier.arrive $0xFFFF  }
0x4e: {  	[sflag:s0] =	ssyncadd.tile.s32 @!p0 $0x1;
	_ =	shalt  }
.Lfunc_end2:
_tile_overlayer_lowered:
.L_overlay_start_2:
0x4f: {  	(tag) =	ssettag $0x2  }
0x50: {  	s0 =	rddreg [dreg:$0x0];
	s2 =	stileid.u32  }
0x51: {  	s1 =	rddreg [dreg:$0x1];
	p0 =	sne.s32 s2, $0x0  }
0x52: {  	s3 =	rddreg [dreg:$0x2];
	[bflag:$0x3] =	sbarrier.arrive $0xFFFF;
	s2 =	simm.s32 @!p0 $0x1C02  }
0x53: {  	[timem:s3], [sflag:s2] =	dma.local @!p0 [hbm:s0], s1  }
0x54: {  	s0 =	simm.s32 @!p0 $0x2  }
0x55: {  	_ =	swait.ge @!p0 [sflag:s0], s1  }
0x56: {  	s1 =	ssub.s32 @!p0 $0x0, s1;
	[sflag:s0] =	ssyncset.done @!p0 $0x0  }
0x57: {  	[sflag:s0] =	ssyncadd.s32 @!p0 s1  }
0x58: {  	[bflag:$0x3] =	sbarrier.arrive $0xFFFF  }
0x59: {  	_ =	shalt  }

</sc_bundles>
